<compile_context>
chip_gen: v7x
topology: tpu7x:2x2x1
jax: 0.10.2.dev20260603
libtpu: 0.0.44.dev20260713+nightly
codegen_flags: <defaults>
</compile_context>

<pallas_src>
import functools

import jax
import jax.numpy as jnp
from jax import lax
from jax.experimental import pallas as pl
from jax.experimental.pallas import tpu as pltpu
from jax.experimental.pallas import tpu_sc as plsc

N_NODES_K = 10000
D_K = 128
N_EDGES_K = 320000

CHUNK = 64
BLOCK_EDGES = 2048
BLOCK_ROWS = BLOCK_EDGES // 128
CHUNKS_PER_BLOCK = BLOCK_EDGES // CHUNK
N_BLOCKS = 160
EDGES_PAD = N_BLOCKS * BLOCK_EDGES
SPLIT_N0 = 9
SPLIT_N1 = 1
ROWS_PAD = 10112
ROWS_PER_TILE = ROWS_PAD // 16
DEG_PAD = 10240
DEG_PER_TILE = DEG_PAD // 16


def _sc_body(x_hbm, pk_hbm, acc_hbm, deg_hbm,
             acc_sh, deg_sh, pk_v, bufs, sidx, didx, ones_v, zbuf, sems):
    cid = lax.axis_index("c")
    sid = lax.axis_index("s")
    row0 = sid * ROWS_PER_TILE

    zeros16 = jnp.zeros((16,), jnp.float32)
    ones16 = jnp.ones((16,), jnp.float32)

    buf0 = bufs[0]

    @pl.loop(0, CHUNK)
    def _zero_rows(r):
        for k in range(8):
            buf0[r, pl.ds(k * 16, 16)] = zeros16

    for k in range(CHUNK // 16):
        ones_v[pl.ds(k * 16, 16)] = ones16

    @pl.loop(0, DEG_PER_TILE // 16)
    def _zero_deg(i):
        zbuf[pl.ds(i * 16, 16)] = zeros16

    for t in range(ROWS_PER_TILE // CHUNK):
        pltpu.sync_copy(buf0, acc_sh.at[pl.ds(row0 + t * CHUNK, CHUNK)])
    rem = ROWS_PER_TILE % CHUNK
    if rem:
        pltpu.sync_copy(buf0.at[pl.ds(0, rem)],
                        acc_sh.at[pl.ds(row0 + ROWS_PER_TILE - rem, rem)])
    pltpu.sync_copy(zbuf, deg_sh.at[pl.ds(sid * DEG_PER_TILE, DEG_PER_TILE)])

    plsc.subcore_barrier()

    def unpack(c, s_v, d_v):
        r = c // 2
        cbase = (c % 2) * CHUNK
        for k in range(CHUNK // 16):
            p = pk_v[r, pl.ds(cbase + k * 16, 16)]
            s_v[pl.ds(k * 16, 16)] = p & 0xFFFF
            d_v[pl.ds(k * 16, 16)] = p >> 16

    def start_gather(s_v, buf, sem):
        pltpu.async_copy(x_hbm.at[s_v], buf, sem)

    def wait_gather(buf, sem):
        pltpu.make_async_copy(x_hbm.at[sidx[0]], buf, sem).wait()

    def do_scatter(d_v, buf):
        pltpu.sync_copy(buf, acc_sh.at[d_v], add=True)
        pltpu.sync_copy(ones_v, deg_sh.at[d_v], add=True)

    nb = jnp.where(cid == 0, SPLIT_N0, SPLIT_N1)
    b0 = jnp.where(cid == 0, sid * SPLIT_N0, 16 * SPLIT_N0 + sid * SPLIT_N1)

    @pl.loop(0, nb)
    def _blocks(t):
        pltpu.sync_copy(pk_hbm.at[b0 + t], pk_v)
        for b in range(2):
            unpack(b, sidx[b], didx[b])
            start_gather(sidx[b], bufs[b], sems[b])

        @pl.loop(0, CHUNKS_PER_BLOCK // 2 - 1)
        def _chunks(i):
            for b in range(2):
                wait_gather(bufs[b], sems[b])
                do_scatter(didx[b], bufs[b])
                unpack(2 * i + 2 + b, sidx[b], didx[b])
                start_gather(sidx[b], bufs[b], sems[b])

        for b in range(2):
            wait_gather(bufs[b], sems[b])
            do_scatter(didx[b], bufs[b])

    plsc.subcore_barrier()

    for t in range(ROWS_PER_TILE // CHUNK):
        pltpu.sync_copy(acc_sh.at[pl.ds(row0 + t * CHUNK, CHUNK)],
                        acc_hbm.at[cid, pl.ds(row0 + t * CHUNK, CHUNK)])
    if rem:
        pltpu.sync_copy(acc_sh.at[pl.ds(row0 + ROWS_PER_TILE - rem, rem)],
                        acc_hbm.at[cid, pl.ds(row0 + ROWS_PER_TILE - rem, rem)])
    pltpu.sync_copy(deg_sh.at[pl.ds(sid * DEG_PER_TILE, DEG_PER_TILE)],
                    deg_hbm.at[cid, pl.ds(sid * DEG_PER_TILE, DEG_PER_TILE)])


_sc_aggregate = functools.partial(
    pl.kernel,
    out_type=(
        jax.ShapeDtypeStruct((2, ROWS_PAD, D_K), jnp.float32),
        jax.ShapeDtypeStruct((2, DEG_PAD), jnp.float32),
    ),
    mesh=plsc.VectorSubcoreMesh(core_axis_name="c", subcore_axis_name="s"),
    scratch_types=[
        pltpu.VMEM_SHARED((ROWS_PAD, D_K), jnp.float32),
        pltpu.VMEM_SHARED((DEG_PAD,), jnp.float32),
        pltpu.VMEM((BLOCK_ROWS, 128), jnp.int32),
        tuple(pltpu.VMEM((CHUNK, D_K), jnp.float32) for _ in range(2)),
        tuple(pltpu.VMEM((CHUNK,), jnp.int32) for _ in range(2)),
        tuple(pltpu.VMEM((CHUNK,), jnp.int32) for _ in range(2)),
        pltpu.VMEM((CHUNK,), jnp.float32),
        pltpu.VMEM((DEG_PER_TILE,), jnp.float32),
        tuple(pltpu.SemaphoreType.DMA for _ in range(2)),
    ],
)(_sc_body)


def _tc_body(x_ref, acc_ref, deg_ref, ws_ref, wn_ref, b_ref, o_ref):
    s = acc_ref[0] + acc_ref[1]
    d = deg_ref[0] + deg_ref[1]
    h = s / jnp.maximum(d, 1.0)
    o_ref[...] = (
        jnp.dot(x_ref[...], ws_ref[...], preferred_element_type=jnp.float32,
                precision=lax.Precision.HIGHEST)
        + jnp.dot(h, wn_ref[...], preferred_element_type=jnp.float32,
                  precision=lax.Precision.HIGHEST)
        + b_ref[...]
    )


def _tc_dense(x, acc, deg3, ws_t, wn_t, bias):
    blk = 2000
    grid = (N_NODES_K // blk,)
    return pl.pallas_call(
        _tc_body,
        grid=grid,
        in_specs=[
            pl.BlockSpec((blk, D_K), lambda i: (i, 0)),
            pl.BlockSpec((2, blk, D_K), lambda i: (0, i, 0)),
            pl.BlockSpec((2, blk, 1), lambda i: (0, i, 0)),
            pl.BlockSpec((D_K, D_K), lambda i: (0, 0)),
            pl.BlockSpec((D_K, D_K), lambda i: (0, 0)),
            pl.BlockSpec((1, D_K), lambda i: (0, 0)),
        ],
        out_specs=pl.BlockSpec((blk, D_K), lambda i: (i, 0)),
        out_shape=jax.ShapeDtypeStruct((N_NODES_K, D_K), jnp.float32),
    )(x, acc, deg3, ws_t, wn_t, bias)


@jax.jit
def kernel(x, edge_index, W_self, b_self, W_neigh, b_neigh):
    src = edge_index[0].astype(jnp.int32)
    dst = edge_index[1].astype(jnp.int32)
    pad = EDGES_PAD - N_EDGES_K
    src_p = jnp.concatenate([src, jnp.zeros((pad,), jnp.int32)])
    dst_p = jnp.concatenate([dst, jnp.full((pad,), N_NODES_K, jnp.int32)])
    packed = (src_p | (dst_p << 16)).reshape(N_BLOCKS, BLOCK_ROWS, 128)

    acc, deg = _sc_aggregate(x, packed)

    deg3 = deg.reshape(2, DEG_PAD, 1)
    bias = (b_self + b_neigh).reshape(1, D_K)
    return _tc_dense(x, acc, deg3, W_self.T, W_neigh.T, bias)

# --- scband reference (transcript-rebuilt; emitter-appended) ---
"""Pipeline reference for scband-sageconv-15461882265917 (READ-ONLY COPY).

The authoritative reference and input builder live on the scoring server;
editing this copy changes nothing except your own understanding.
"""

import jax, jax.numpy as jnp
import numpy as np

N_NODES = 10000
N_EDGES = 320000
D_IN = 128
D_OUT = 128


def setup_inputs(seed: int = 0) -> dict:
    key = jax.random.key(seed)
    k1, k2, k3, k4, k5, k6 = jax.random.split(key, 6)
    x = jax.random.normal(k1, (N_NODES, D_IN), dtype=jnp.float32)
    edge_index = jax.random.randint(k2, (2, N_EDGES), 0, N_NODES, dtype=jnp.int64)
    # xavier_uniform with relu gain, matching reset_parameters
    gain = float(np.sqrt(2.0))
    bound = gain * float(np.sqrt(6.0 / (D_IN + D_OUT)))
    W_self = jax.random.uniform(k3, (D_OUT, D_IN), dtype=jnp.float32, minval=-bound, maxval=bound)
    W_neigh = jax.random.uniform(k4, (D_OUT, D_IN), dtype=jnp.float32, minval=-bound, maxval=bound)
    b_self = jnp.zeros((D_OUT,), dtype=jnp.float32)
    b_neigh = jnp.zeros((D_OUT,), dtype=jnp.float32)
    return {"x": x, "edge_index": edge_index, "W_self": W_self, "b_self": b_self,
            "W_neigh": W_neigh, "b_neigh": b_neigh}


def reference(x, edge_index, W_self, b_self, W_neigh, b_neigh):
    # SAGEConv with aggregator_type='mean':
    #   h_neigh[v] = mean_{u in N(v)} x[u]
    #   rst = fc_self(x) + fc_neigh(h_neigh)
    src = edge_index[0]
    dst = edge_index[1]
    msgs = jnp.take(x, src, axis=0)  # gather source features per edge
    summed = jax.ops.segment_sum(msgs, dst, num_segments=N_NODES)
    deg = jax.ops.segment_sum(jnp.ones((N_EDGES,), dtype=x.dtype), dst, num_segments=N_NODES)
    h_neigh = summed / jnp.maximum(deg, 1.0)[:, None]  # mean; 0 for isolated nodes
    rst = (x @ W_self.T + b_self) + (h_neigh @ W_neigh.T + b_neigh)
    return rst

if __name__ == "__main__":
    import jax
    _d = setup_inputs()
    print(jax.jit(kernel)(*tuple(_d.values())))

</pallas_src>

<mosaic_0001>
#map = affine_map<(d0, d1) -> (0, 0)>
#map1 = affine_map<(d0, d1) -> (0, 0, 0)>
module attributes {stable_mosaic.version = 14 : i64} {
  func.func @_sc_body(%arg0: i32, %arg1: i32, %arg2: memref<10000x128xf32, #tpu.memory_space<hbm>>, %arg3: memref<160x16x128xi32, #tpu.memory_space<hbm>>, %arg4: memref<2x10112x128xf32, #tpu.memory_space<hbm>>, %arg5: memref<2x10240xf32, #tpu.memory_space<hbm>>, %arg6: memref<10112x128xf32, #tpu.memory_space<vmem_shared>>, %arg7: memref<10240xf32, #tpu.memory_space<vmem_shared>>, %arg8: memref<16x128xi32, #tpu.memory_space<vmem>>, %arg9: memref<64x128xf32, #tpu.memory_space<vmem>>, %arg10: memref<64x128xf32, #tpu.memory_space<vmem>>, %arg11: memref<64xi32, #tpu.memory_space<vmem>>, %arg12: memref<64xi32, #tpu.memory_space<vmem>>, %arg13: memref<64xi32, #tpu.memory_space<vmem>>, %arg14: memref<64xi32, #tpu.memory_space<vmem>>, %arg15: memref<64xf32, #tpu.memory_space<vmem>>, %arg16: memref<640xf32, #tpu.memory_space<vmem>>, %arg17: memref<!tpu.dma_semaphore, #tpu.memory_space<semaphore_mem>>, %arg18: memref<!tpu.dma_semaphore, #tpu.memory_space<semaphore_mem>>) attributes {dimension_semantics = [#tpu.dimension_semantics<core_parallel>, #tpu.dimension_semantics<subcore_parallel>], iteration_bounds = array<i64: 2, 16>, scalar_prefetch = 0 : i64, scratch_operands = 13 : i64, tpu.core_type = #tpu.core_type<sc_vector_subcore>, window_params = [{transform_indices = #map}, {transform_indices = #map1}, {transform_indices = #map1}, {transform_indices = #map}]} {
    %mul3A = arith.constant 632 : i32
    %mul3A_0 = arith.muli %arg1, %mul3A : i32
    %broadcast_in_dim3A = arith.constant 0.000000e+00 : f32
    %broadcast_in_dim3A_1 = vector.broadcast %broadcast_in_dim3A : f32 to vector<16xf32>
    %broadcast_in_dim3A_2 = arith.constant 1.000000e+00 : f32
    %broadcast_in_dim3A_3 = vector.broadcast %broadcast_in_dim3A_2 : f32 to vector<16xf32>
    %scan3A = arith.constant 0 : i32
    %scan3A_4 = arith.constant 64 : i32
    %scan3A_5 = arith.addi %scan3A, %scan3A_4 : i32
    %scan3A_6 = arith.constant 1 : i32
    scf.for %scan3A_127 = %scan3A to %scan3A_5 step %scan3A_6  : i32 {
      %mul3A_128 = arith.constant 1 : i32
      %mul3A_129 = arith.muli %scan3A_127, %mul3A_128 : i32
      %add3A_130 = arith.constant 0 : i32
      %add3A_131 = arith.addi %add3A_130, %mul3A_129 : i32
      %swap3A_132 = arith.index_cast %add3A_131 : i32 to index
      %swap3A_133 = arith.constant 0 : index
      %swap3A_134 = tpu.vector_load %arg9[%swap3A_132, %swap3A_133] {strides = array<i32>} : memref<64x128xf32, #tpu.memory_space<vmem>>, vector<1x16xf32>,
      %swap3A_135 = vector.shape_cast %swap3A_134 : vector<1x16xf32> to vector<16xf32>
      %swap3A_136 = vector.shape_cast %broadcast_in_dim3A_1 : vector<16xf32> to vector<1x16xf32>
      tpu.vector_store %arg9[%swap3A_132, %swap3A_133], %swap3A_136 {strides = array<i32>} : memref<64x128xf32, #tpu.memory_space<vmem>>, vector<1x16xf32>,
      %swap3A_137 = arith.index_cast %add3A_131 : i32 to index
      %swap3A_138 = arith.constant 16 : index
      %swap3A_139 = tpu.vector_load %arg9[%swap3A_137, %swap3A_138] {strides = array<i32>} : memref<64x128xf32, #tpu.memory_space<vmem>>, vector<1x16xf32>,
      %swap3A_140 = vector.shape_cast %swap3A_139 : vector<1x16xf32> to vector<16xf32>
      %swap3A_141 = vector.shape_cast %broadcast_in_dim3A_1 : vector<16xf32> to vector<1x16xf32>
      tpu.vector_store %arg9[%swap3A_137, %swap3A_138], %swap3A_141 {strides = array<i32>} : memref<64x128xf32, #tpu.memory_space<vmem>>, vector<1x16xf32>,
      %swap3A_142 = arith.index_cast %add3A_131 : i32 to index
      %swap3A_143 = arith.constant 32 : index
      %swap3A_144 = tpu.vector_load %arg9[%swap3A_142, %swap3A_143] {strides = array<i32>} : memref<64x128xf32, #tpu.memory_space<vmem>>, vector<1x16xf32>,
      %swap3A_145 = vector.shape_cast %swap3A_144 : vector<1x16xf32> to vector<16xf32>
      %swap3A_146 = vector.shape_cast %broadcast_in_dim3A_1 : vector<16xf32> to vector<1x16xf32>
      tpu.vector_store %arg9[%swap3A_142, %swap3A_143], %swap3A_146 {strides = array<i32>} : memref<64x128xf32, #tpu.memory_space<vmem>>, vector<1x16xf32>,
      %swap3A_147 = arith.index_cast %add3A_131 : i32 to index
      %swap3A_148 = arith.constant 48 : index
      %swap3A_149 = tpu.vector_load %arg9[%swap3A_147, %swap3A_148] {strides = array<i32>} : memref<64x128xf32, #tpu.memory_space<vmem>>, vector<1x16xf32>,
      %swap3A_150 = vector.shape_cast %swap3A_149 : vector<1x16xf32> to vector<16xf32>
      %swap3A_151 = vector.shape_cast %broadcast_in_dim3A_1 : vector<16xf32> to vector<1x16xf32>
      tpu.vector_store %arg9[%swap3A_147, %swap3A_148], %swap3A_151 {strides = array<i32>} : memref<64x128xf32, #tpu.memory_space<vmem>>, vector<1x16xf32>,
      %swap3A_152 = arith.index_cast %add3A_131 : i32 to index
      %swap3A_153 = arith.constant 64 : index
      %swap3A_154 = tpu.vector_load %arg9[%swap3A_152, %swap3A_153] {strides = array<i32>} : memref<64x128xf32, #tpu.memory_space<vmem>>, vector<1x16xf32>,
      %swap3A_155 = vector.shape_cast %swap3A_154 : vector<1x16xf32> to vector<16xf32>
      %swap3A_156 = vector.shape_cast %broadcast_in_dim3A_1 : vector<16xf32> to vector<1x16xf32>
      tpu.vector_store %arg9[%swap3A_152, %swap3A_153], %swap3A_156 {strides = array<i32>} : memref<64x128xf32, #tpu.memory_space<vmem>>, vector<1x16xf32>,
      %swap3A_157 = arith.index_cast %add3A_131 : i32 to index
      %swap3A_158 = arith.constant 80 : index
      %swap3A_159 = tpu.vector_load %arg9[%swap3A_157, %swap3A_158] {strides = array<i32>} : memref<64x128xf32, #tpu.memory_space<vmem>>, vector<1x16xf32>,
      %swap3A_160 = vector.shape_cast %swap3A_159 : vector<1x16xf32> to vector<16xf32>
      %swap3A_161 = vector.shape_cast %broadcast_in_dim3A_1 : vector<16xf32> to vector<1x16xf32>
      tpu.vector_store %arg9[%swap3A_157, %swap3A_158], %swap3A_161 {strides = array<i32>} : memref<64x128xf32, #tpu.memory_space<vmem>>, vector<1x16xf32>,
      %swap3A_162 = arith.index_cast %add3A_131 : i32 to index
      %swap3A_163 = arith.constant 96 : index
      %swap3A_164 = tpu.vector_load %arg9[%swap3A_162, %swap3A_163] {strides = array<i32>} : memref<64x128xf32, #tpu.memory_space<vmem>>, vector<1x16xf32>,
      %swap3A_165 = vector.shape_cast %swap3A_164 : vector<1x16xf32> to vector<16xf32>
      %swap3A_166 = vector.shape_cast %broadcast_in_dim3A_1 : vector<16xf32> to vector<1x16xf32>
      tpu.vector_store %arg9[%swap3A_162, %swap3A_163], %swap3A_166 {strides = array<i32>} : memref<64x128xf32, #tpu.memory_space<vmem>>, vector<1x16xf32>,
      %swap3A_167 = arith.index_cast %add3A_131 : i32 to index
      %swap3A_168 = arith.constant 112 : index
      %swap3A_169 = tpu.vector_load %arg9[%swap3A_167, %swap3A_168] {strides = array<i32>} : memref<64x128xf32, #tpu.memory_space<vmem>>, vector<1x16xf32>,
      %swap3A_170 = vector.shape_cast %swap3A_169 : vector<1x16xf32> to vector<16xf32>
      %swap3A_171 = vector.shape_cast %broadcast_in_dim3A_1 : vector<16xf32> to vector<1x16xf32>
      tpu.vector_store %arg9[%swap3A_167, %swap3A_168], %swap3A_171 {strides = array<i32>} : memref<64x128xf32, #tpu.memory_space<vmem>>, vector<1x16xf32>,
    }
    %scan3A_7 = arith.constant 64 : i32
    %swap3A = arith.constant 0 : index
    %swap3A_8 = tpu.vector_load %arg15[%swap3A] {strides = array<i32>} : memref<64xf32, #tpu.memory_space<vmem>>, vector<16xf32>,
    %swap3A_9 = vector.shape_cast %swap3A_8 : vector<16xf32> to vector<16xf32>
    %swap3A_10 = vector.shape_cast %broadcast_in_dim3A_3 : vector<16xf32> to vector<16xf32>
    tpu.vector_store %arg15[%swap3A], %swap3A_10 {strides = array<i32>} : memref<64xf32, #tpu.memory_space<vmem>>, vector<16xf32>,
    %swap3A_11 = arith.constant 16 : index
    %swap3A_12 = tpu.vector_load %arg15[%swap3A_11] {strides = array<i32>} : memref<64xf32, #tpu.memory_space<vmem>>, vector<16xf32>,
    %swap3A_13 = vector.shape_cast %swap3A_12 : vector<16xf32> to vector<16xf32>
    %swap3A_14 = vector.shape_cast %broadcast_in_dim3A_3 : vector<16xf32> to vector<16xf32>
    tpu.vector_store %arg15[%swap3A_11], %swap3A_14 {strides = array<i32>} : memref<64xf32, #tpu.memory_space<vmem>>, vector<16xf32>,
    %swap3A_15 = arith.constant 32 : index
    %swap3A_16 = tpu.vector_load %arg15[%swap3A_15] {strides = array<i32>} : memref<64xf32, #tpu.memory_space<vmem>>, vector<16xf32>,
    %swap3A_17 = vector.shape_cast %swap3A_16 : vector<16xf32> to vector<16xf32>
    %swap3A_18 = vector.shape_cast %broadcast_in_dim3A_3 : vector<16xf32> to vector<16xf32>
    tpu.vector_store %arg15[%swap3A_15], %swap3A_18 {strides = array<i32>} : memref<64xf32, #tpu.memory_space<vmem>>, vector<16xf32>,
    %swap3A_19 = arith.constant 48 : index
    %swap3A_20 = tpu.vector_load %arg15[%swap3A_19] {strides = array<i32>} : memref<64xf32, #tpu.memory_space<vmem>>, vector<16xf32>,
    %swap3A_21 = vector.shape_cast %swap3A_20 : vector<16xf32> to vector<16xf32>
    %swap3A_22 = vector.shape_cast %broadcast_in_dim3A_3 : vector<16xf32> to vector<16xf32>
    tpu.vector_store %arg15[%swap3A_19], %swap3A_22 {strides = array<i32>} : memref<64xf32, #tpu.memory_space<vmem>>, vector<16xf32>,
    %scan3A_23 = arith.constant 0 : i32
    %scan3A_24 = arith.constant 40 : i32
    %scan3A_25 = arith.addi %scan3A_23, %scan3A_24 : i32
    %scan3A_26 = arith.constant 1 : i32
    scf.for %scan3A_127 = %scan3A_23 to %scan3A_25 step %scan3A_26  : i32 {
      %mul3A_128 = arith.constant 1 : i32
      %mul3A_129 = arith.muli %scan3A_127, %mul3A_128 : i32
      %add3A_130 = arith.constant 0 : i32
      %add3A_131 = arith.addi %add3A_130, %mul3A_129 : i32
      %mul3A_132 = arith.constant 16 : i32
      %mul3A_133 = arith.muli %add3A_131, %mul3A_132 : i32
      %swap3A_134 = arith.index_cast %mul3A_133 : i32 to index
      %swap3A_135 = tpu.vector_load %arg16[%swap3A_134] {strides = array<i32>} : memref<640xf32, #tpu.memory_space<vmem>>, vector<16xf32>,
      %swap3A_136 = vector.shape_cast %swap3A_135 : vector<16xf32> to vector<16xf32>
      %swap3A_137 = vector.shape_cast %broadcast_in_dim3A_1 : vector<16xf32> to vector<16xf32>
      tpu.vector_store %arg16[%swap3A_134], %swap3A_137 {strides = array<i32>} : memref<640xf32, #tpu.memory_space<vmem>>, vector<16xf32>,
    }
    %scan3A_27 = arith.constant 40 : i32
    %add3A = arith.constant 0 : i32
    %add3A_28 = arith.addi %mul3A_0, %add3A : i32
    "tpu.region"() ({
      %run_scoped3A = tpu.sem_alloc : memref<!tpu.dma_semaphore, #tpu.memory_space<semaphore_mem>>
      %dma_start3A = arith.constant 0 : i32
      %dma_start3A_127 = tpu.memref_slice %arg6[%add3A_28, %dma_start3A] : memref<10112x128xf32, #tpu.memory_space<vmem_shared>> -> memref<64x128xf32, #tpu.memory_space<vmem_shared>>
      %dma_start3A_128 = arith.constant 0 : i32
      %dma_start3A_129 = tpu.memref_slice %arg6[%add3A_28, %dma_start3A_128] : memref<10112x128xf32, #tpu.memory_space<vmem_shared>> -> memref<64x128xf32, #tpu.memory_space<vmem_shared>>
      tpu.enqueue_dma source(%arg9 : memref<64x128xf32, #tpu.memory_space<vmem>>) target(%dma_start3A_129 : memref<64x128xf32, #tpu.memory_space<vmem_shared>>) target_semaphore(%run_scoped3A : memref<!tpu.dma_semaphore, #tpu.memory_space<semaphore_mem>>)
      %dma_wait3A = arith.constant 0 : i32
      %dma_wait3A_130 = tpu.memref_slice %arg6[%add3A_28, %dma_wait3A] : memref<10112x128xf32, #tpu.memory_space<vmem_shared>> -> memref<64x128xf32, #tpu.memory_space<vmem_shared>>
      %dma_wait3A_131 = arith.constant 0 : i32
      %dma_wait3A_132 = tpu.memref_slice %arg6[%add3A_28, %dma_wait3A_131] : memref<10112x128xf32, #tpu.memory_space<vmem_shared>> -> memref<64x128xf32, #tpu.memory_space<vmem_shared>>
      tpu.wait_dma2 semaphore(%run_scoped3A : memref<!tpu.dma_semaphore, #tpu.memory_space<semaphore_mem>>) src(%arg9 : memref<64x128xf32, #tpu.memory_space<vmem>>) dst(%dma_wait3A_132 : memref<64x128xf32, #tpu.memory_space<vmem_shared>>)
      tpu.yield
    }) : () -> ()
    %add3A_29 = arith.constant 64 : i32
    %add3A_30 = arith.addi %mul3A_0, %add3A_29 : i32
    "tpu.region"() ({
      %run_scoped3A = tpu.sem_alloc : memref<!tpu.dma_semaphore, #tpu.memory_space<semaphore_mem>>
      %dma_start3A = arith.constant 0 : i32
      %dma_start3A_127 = tpu.memref_slice %arg6[%add3A_30, %dma_start3A] : memref<10112x128xf32, #tpu.memory_space<vmem_shared>> -> memref<64x128xf32, #tpu.memory_space<vmem_shared>>
      %dma_start3A_128 = arith.constant 0 : i32
      %dma_start3A_129 = tpu.memref_slice %arg6[%add3A_30, %dma_start3A_128] : memref<10112x128xf32, #tpu.memory_space<vmem_shared>> -> memref<64x128xf32, #tpu.memory_space<vmem_shared>>
      tpu.enqueue_dma source(%arg9 : memref<64x128xf32, #tpu.memory_space<vmem>>) target(%dma_start3A_129 : memref<64x128xf32, #tpu.memory_space<vmem_shared>>) target_semaphore(%run_scoped3A : memref<!tpu.dma_semaphore, #tpu.memory_space<semaphore_mem>>)
      %dma_wait3A = arith.constant 0 : i32
      %dma_wait3A_130 = tpu.memref_slice %arg6[%add3A_30, %dma_wait3A] : memref<10112x128xf32, #tpu.memory_space<vmem_shared>> -> memref<64x128xf32, #tpu.memory_space<vmem_shared>>
      %dma_wait3A_131 = arith.constant 0 : i32
      %dma_wait3A_132 = tpu.memref_slice %arg6[%add3A_30, %dma_wait3A_131] : memref<10112x128xf32, #tpu.memory_space<vmem_shared>> -> memref<64x128xf32, #tpu.memory_space<vmem_shared>>
      tpu.wait_dma2 semaphore(%run_scoped3A : memref<!tpu.dma_semaphore, #tpu.memory_space<semaphore_mem>>) src(%arg9 : memref<64x128xf32, #tpu.memory_space<vmem>>) dst(%dma_wait3A_132 : memref<64x128xf32, #tpu.memory_space<vmem_shared>>)
      tpu.yield
    }) : () -> ()
    %add3A_31 = arith.constant 128 : i32
    %add3A_32 = arith.addi %mul3A_0, %add3A_31 : i32
    "tpu.region"() ({
      %run_scoped3A = tpu.sem_alloc : memref<!tpu.dma_semaphore, #tpu.memory_space<semaphore_mem>>
      %dma_start3A = arith.constant 0 : i32
      %dma_start3A_127 = tpu.memref_slice %arg6[%add3A_32, %dma_start3A] : memref<10112x128xf32, #tpu.memory_space<vmem_shared>> -> memref<64x128xf32, #tpu.memory_space<vmem_shared>>
      %dma_start3A_128 = arith.constant 0 : i32
      %dma_start3A_129 = tpu.memref_slice %arg6[%add3A_32, %dma_start3A_128] : memref<10112x128xf32, #tpu.memory_space<vmem_shared>> -> memref<64x128xf32, #tpu.memory_space<vmem_shared>>
      tpu.enqueue_dma source(%arg9 : memref<64x128xf32, #tpu.memory_space<vmem>>) target(%dma_start3A_129 : memref<64x128xf32, #tpu.memory_space<vmem_shared>>) target_semaphore(%run_scoped3A : memref<!tpu.dma_semaphore, #tpu.memory_space<semaphore_mem>>)
      %dma_wait3A = arith.constant 0 : i32
      %dma_wait3A_130 = tpu.memref_slice %arg6[%add3A_32, %dma_wait3A] : memref<10112x128xf32, #tpu.memory_space<vmem_shared>> -> memref<64x128xf32, #tpu.memory_space<vmem_shared>>
      %dma_wait3A_131 = arith.constant 0 : i32
      %dma_wait3A_132 = tpu.memref_slice %arg6[%add3A_32, %dma_wait3A_131] : memref<10112x128xf32, #tpu.memory_space<vmem_shared>> -> memref<64x128xf32, #tpu.memory_space<vmem_shared>>
      tpu.wait_dma2 semaphore(%run_scoped3A : memref<!tpu.dma_semaphore, #tpu.memory_space<semaphore_mem>>) src(%arg9 : memref<64x128xf32, #tpu.memory_space<vmem>>) dst(%dma_wait3A_132 : memref<64x128xf32, #tpu.memory_space<vmem_shared>>)
      tpu.yield
    }) : () -> ()
    %add3A_33 = arith.constant 192 : i32
    %add3A_34 = arith.addi %mul3A_0, %add3A_33 : i32
    "tpu.region"() ({
      %run_scoped3A = tpu.sem_alloc : memref<!tpu.dma_semaphore, #tpu.memory_space<semaphore_mem>>
      %dma_start3A = arith.constant 0 : i32
      %dma_start3A_127 = tpu.memref_slice %arg6[%add3A_34, %dma_start3A] : memref<10112x128xf32, #tpu.memory_space<vmem_shared>> -> memref<64x128xf32, #tpu.memory_space<vmem_shared>>
      %dma_start3A_128 = arith.constant 0 : i32
      %dma_start3A_129 = tpu.memref_slice %arg6[%add3A_34, %dma_start3A_128] : memref<10112x128xf32, #tpu.memory_space<vmem_shared>> -> memref<64x128xf32, #tpu.memory_space<vmem_shared>>
      tpu.enqueue_dma source(%arg9 : memref<64x128xf32, #tpu.memory_space<vmem>>) target(%dma_start3A_129 : memref<64x128xf32, #tpu.memory_space<vmem_shared>>) target_semaphore(%run_scoped3A : memref<!tpu.dma_semaphore, #tpu.memory_space<semaphore_mem>>)
      %dma_wait3A = arith.constant 0 : i32
      %dma_wait3A_130 = tpu.memref_slice %arg6[%add3A_34, %dma_wait3A] : memref<10112x128xf32, #tpu.memory_space<vmem_shared>> -> memref<64x128xf32, #tpu.memory_space<vmem_shared>>
      %dma_wait3A_131 = arith.constant 0 : i32
      %dma_wait3A_132 = tpu.memref_slice %arg6[%add3A_34, %dma_wait3A_131] : memref<10112x128xf32, #tpu.memory_space<vmem_shared>> -> memref<64x128xf32, #tpu.memory_space<vmem_shared>>
      tpu.wait_dma2 semaphore(%run_scoped3A : memref<!tpu.dma_semaphore, #tpu.memory_space<semaphore_mem>>) src(%arg9 : memref<64x128xf32, #tpu.memory_space<vmem>>) dst(%dma_wait3A_132 : memref<64x128xf32, #tpu.memory_space<vmem_shared>>)
      tpu.yield
    }) : () -> ()
    %add3A_35 = arith.constant 256 : i32
    %add3A_36 = arith.addi %mul3A_0, %add3A_35 : i32
    "tpu.region"() ({
      %run_scoped3A = tpu.sem_alloc : memref<!tpu.dma_semaphore, #tpu.memory_space<semaphore_mem>>
      %dma_start3A = arith.constant 0 : i32
      %dma_start3A_127 = tpu.memref_slice %arg6[%add3A_36, %dma_start3A] : memref<10112x128xf32, #tpu.memory_space<vmem_shared>> -> memref<64x128xf32, #tpu.memory_space<vmem_shared>>
      %dma_start3A_128 = arith.constant 0 : i32
      %dma_start3A_129 = tpu.memref_slice %arg6[%add3A_36, %dma_start3A_128] : memref<10112x128xf32, #tpu.memory_space<vmem_shared>> -> memref<64x128xf32, #tpu.memory_space<vmem_shared>>
      tpu.enqueue_dma source(%arg9 : memref<64x128xf32, #tpu.memory_space<vmem>>) target(%dma_start3A_129 : memref<64x128xf32, #tpu.memory_space<vmem_shared>>) target_semaphore(%run_scoped3A : memref<!tpu.dma_semaphore, #tpu.memory_space<semaphore_mem>>)
      %dma_wait3A = arith.constant 0 : i32
      %dma_wait3A_130 = tpu.memref_slice %arg6[%add3A_36, %dma_wait3A] : memref<10112x128xf32, #tpu.memory_space<vmem_shared>> -> memref<64x128xf32, #tpu.memory_space<vmem_shared>>
      %dma_wait3A_131 = arith.constant 0 : i32
      %dma_wait3A_132 = tpu.memref_slice %arg6[%add3A_36, %dma_wait3A_131] : memref<10112x128xf32, #tpu.memory_space<vmem_shared>> -> memref<64x128xf32, #tpu.memory_space<vmem_shared>>
      tpu.wait_dma2 semaphore(%run_scoped3A : memref<!tpu.dma_semaphore, #tpu.memory_space<semaphore_mem>>) src(%arg9 : memref<64x128xf32, #tpu.memory_space<vmem>>) dst(%dma_wait3A_132 : memref<64x128xf32, #tpu.memory_space<vmem_shared>>)
      tpu.yield
    }) : () -> ()
    %add3A_37 = arith.constant 320 : i32
    %add3A_38 = arith.addi %mul3A_0, %add3A_37 : i32
    "tpu.region"() ({
      %run_scoped3A = tpu.sem_alloc : memref<!tpu.dma_semaphore, #tpu.memory_space<semaphore_mem>>
      %dma_start3A = arith.constant 0 : i32
      %dma_start3A_127 = tpu.memref_slice %arg6[%add3A_38, %dma_start3A] : memref<10112x128xf32, #tpu.memory_space<vmem_shared>> -> memref<64x128xf32, #tpu.memory_space<vmem_shared>>
      %dma_start3A_128 = arith.constant 0 : i32
      %dma_start3A_129 = tpu.memref_slice %arg6[%add3A_38, %dma_start3A_128] : memref<10112x128xf32, #tpu.memory_space<vmem_shared>> -> memref<64x128xf32, #tpu.memory_space<vmem_shared>>
      tpu.enqueue_dma source(%arg9 : memref<64x128xf32, #tpu.memory_space<vmem>>) target(%dma_start3A_129 : memref<64x128xf32, #tpu.memory_space<vmem_shared>>) target_semaphore(%run_scoped3A : memref<!tpu.dma_semaphore, #tpu.memory_space<semaphore_mem>>)
      %dma_wait3A = arith.constant 0 : i32
      %dma_wait3A_130 = tpu.memref_slice %arg6[%add3A_38, %dma_wait3A] : memref<10112x128xf32, #tpu.memory_space<vmem_shared>> -> memref<64x128xf32, #tpu.memory_space<vmem_shared>>
      %dma_wait3A_131 = arith.constant 0 : i32
      %dma_wait3A_132 = tpu.memref_slice %arg6[%add3A_38, %dma_wait3A_131] : memref<10112x128xf32, #tpu.memory_space<vmem_shared>> -> memref<64x128xf32, #tpu.memory_space<vmem_shared>>
      tpu.wait_dma2 semaphore(%run_scoped3A : memref<!tpu.dma_semaphore, #tpu.memory_space<semaphore_mem>>) src(%arg9 : memref<64x128xf32, #tpu.memory_space<vmem>>) dst(%dma_wait3A_132 : memref<64x128xf32, #tpu.memory_space<vmem_shared>>)
      tpu.yield
    }) : () -> ()
    %add3A_39 = arith.constant 384 : i32
    %add3A_40 = arith.addi %mul3A_0, %add3A_39 : i32
    "tpu.region"() ({
      %run_scoped3A = tpu.sem_alloc : memref<!tpu.dma_semaphore, #tpu.memory_space<semaphore_mem>>
      %dma_start3A = arith.constant 0 : i32
      %dma_start3A_127 = tpu.memref_slice %arg6[%add3A_40, %dma_start3A] : memref<10112x128xf32, #tpu.memory_space<vmem_shared>> -> memref<64x128xf32, #tpu.memory_space<vmem_shared>>
      %dma_start3A_128 = arith.constant 0 : i32
      %dma_start3A_129 = tpu.memref_slice %arg6[%add3A_40, %dma_start3A_128] : memref<10112x128xf32, #tpu.memory_space<vmem_shared>> -> memref<64x128xf32, #tpu.memory_space<vmem_shared>>
      tpu.enqueue_dma source(%arg9 : memref<64x128xf32, #tpu.memory_space<vmem>>) target(%dma_start3A_129 : memref<64x128xf32, #tpu.memory_space<vmem_shared>>) target_semaphore(%run_scoped3A : memref<!tpu.dma_semaphore, #tpu.memory_space<semaphore_mem>>)
      %dma_wait3A = arith.constant 0 : i32
      %dma_wait3A_130 = tpu.memref_slice %arg6[%add3A_40, %dma_wait3A] : memref<10112x128xf32, #tpu.memory_space<vmem_shared>> -> memref<64x128xf32, #tpu.memory_space<vmem_shared>>
      %dma_wait3A_131 = arith.constant 0 : i32
      %dma_wait3A_132 = tpu.memref_slice %arg6[%add3A_40, %dma_wait3A_131] : memref<10112x128xf32, #tpu.memory_space<vmem_shared>> -> memref<64x128xf32, #tpu.memory_space<vmem_shared>>
      tpu.wait_dma2 semaphore(%run_scoped3A : memref<!tpu.dma_semaphore, #tpu.memory_space<semaphore_mem>>) src(%arg9 : memref<64x128xf32, #tpu.memory_space<vmem>>) dst(%dma_wait3A_132 : memref<64x128xf32, #tpu.memory_space<vmem_shared>>)
      tpu.yield
    }) : () -> ()
    %add3A_41 = arith.constant 448 : i32
    %add3A_42 = arith.addi %mul3A_0, %add3A_41 : i32
    "tpu.region"() ({
      %run_scoped3A = tpu.sem_alloc : memref<!tpu.dma_semaphore, #tpu.memory_space<semaphore_mem>>
      %dma_start3A = arith.constant 0 : i32
      %dma_start3A_127 = tpu.memref_slice %arg6[%add3A_42, %dma_start3A] : memref<10112x128xf32, #tpu.memory_space<vmem_shared>> -> memref<64x128xf32, #tpu.memory_space<vmem_shared>>
      %dma_start3A_128 = arith.constant 0 : i32
      %dma_start3A_129 = tpu.memref_slice %arg6[%add3A_42, %dma_start3A_128] : memref<10112x128xf32, #tpu.memory_space<vmem_shared>> -> memref<64x128xf32, #tpu.memory_space<vmem_shared>>
      tpu.enqueue_dma source(%arg9 : memref<64x128xf32, #tpu.memory_space<vmem>>) target(%dma_start3A_129 : memref<64x128xf32, #tpu.memory_space<vmem_shared>>) target_semaphore(%run_scoped3A : memref<!tpu.dma_semaphore, #tpu.memory_space<semaphore_mem>>)
      %dma_wait3A = arith.constant 0 : i32
      %dma_wait3A_130 = tpu.memref_slice %arg6[%add3A_42, %dma_wait3A] : memref<10112x128xf32, #tpu.memory_space<vmem_shared>> -> memref<64x128xf32, #tpu.memory_space<vmem_shared>>
      %dma_wait3A_131 = arith.constant 0 : i32
      %dma_wait3A_132 = tpu.memref_slice %arg6[%add3A_42, %dma_wait3A_131] : memref<10112x128xf32, #tpu.memory_space<vmem_shared>> -> memref<64x128xf32, #tpu.memory_space<vmem_shared>>
      tpu.wait_dma2 semaphore(%run_scoped3A : memref<!tpu.dma_semaphore, #tpu.memory_space<semaphore_mem>>) src(%arg9 : memref<64x128xf32, #tpu.memory_space<vmem>>) dst(%dma_wait3A_132 : memref<64x128xf32, #tpu.memory_space<vmem_shared>>)
      tpu.yield
    }) : () -> ()
    %add3A_43 = arith.constant 512 : i32
    %add3A_44 = arith.addi %mul3A_0, %add3A_43 : i32
    "tpu.region"() ({
      %run_scoped3A = tpu.sem_alloc : memref<!tpu.dma_semaphore, #tpu.memory_space<semaphore_mem>>
      %dma_start3A = arith.constant 0 : i32
      %dma_start3A_127 = tpu.memref_slice %arg6[%add3A_44, %dma_start3A] : memref<10112x128xf32, #tpu.memory_space<vmem_shared>> -> memref<64x128xf32, #tpu.memory_space<vmem_shared>>
      %dma_start3A_128 = arith.constant 0 : i32
      %dma_start3A_129 = tpu.memref_slice %arg6[%add3A_44, %dma_start3A_128] : memref<10112x128xf32, #tpu.memory_space<vmem_shared>> -> memref<64x128xf32, #tpu.memory_space<vmem_shared>>
      tpu.enqueue_dma source(%arg9 : memref<64x128xf32, #tpu.memory_space<vmem>>) target(%dma_start3A_129 : memref<64x128xf32, #tpu.memory_space<vmem_shared>>) target_semaphore(%run_scoped3A : memref<!tpu.dma_semaphore, #tpu.memory_space<semaphore_mem>>)
      %dma_wait3A = arith.constant 0 : i32
      %dma_wait3A_130 = tpu.memref_slice %arg6[%add3A_44, %dma_wait3A] : memref<10112x128xf32, #tpu.memory_space<vmem_shared>> -> memref<64x128xf32, #tpu.memory_space<vmem_shared>>
      %dma_wait3A_131 = arith.constant 0 : i32
      %dma_wait3A_132 = tpu.memref_slice %arg6[%add3A_44, %dma_wait3A_131] : memref<10112x128xf32, #tpu.memory_space<vmem_shared>> -> memref<64x128xf32, #tpu.memory_space<vmem_shared>>
      tpu.wait_dma2 semaphore(%run_scoped3A : memref<!tpu.dma_semaphore, #tpu.memory_space<semaphore_mem>>) src(%arg9 : memref<64x128xf32, #tpu.memory_space<vmem>>) dst(%dma_wait3A_132 : memref<64x128xf32, #tpu.memory_space<vmem_shared>>)
      tpu.yield
    }) : () -> ()
    %add3A_45 = arith.constant 632 : i32
    %add3A_46 = arith.addi %mul3A_0, %add3A_45 : i32
    %sub3A = arith.constant 56 : i32
    %sub3A_47 = arith.subi %add3A_46, %sub3A : i32
    "tpu.region"() ({
      %run_scoped3A = tpu.sem_alloc : memref<!tpu.dma_semaphore, #tpu.memory_space<semaphore_mem>>
      %dma_start3A = arith.constant 0 : i32
      %dma_start3A_127 = arith.constant 0 : i32
      %dma_start3A_128 = tpu.memref_slice %arg9[%dma_start3A, %dma_start3A_127] : memref<64x128xf32, #tpu.memory_space<vmem>> -> memref<56x128xf32, #tpu.memory_space<vmem>>
      %dma_start3A_129 = arith.constant 0 : i32
      %dma_start3A_130 = tpu.memref_slice %arg6[%sub3A_47, %dma_start3A_129] : memref<10112x128xf32, #tpu.memory_space<vmem_shared>> -> memref<56x128xf32, #tpu.memory_space<vmem_shared>>
      %dma_start3A_131 = arith.constant 0 : i32
      %dma_start3A_132 = tpu.memref_slice %arg6[%sub3A_47, %dma_start3A_131] : memref<10112x128xf32, #tpu.memory_space<vmem_shared>> -> memref<56x128xf32, #tpu.memory_space<vmem_shared>>
      %dma_start3A_133 = arith.constant 0 : i32
      %dma_start3A_134 = arith.constant 0 : i32
      %dma_start3A_135 = tpu.memref_slice %arg9[%dma_start3A_133, %dma_start3A_134] : memref<64x128xf32, #tpu.memory_space<vmem>> -> memref<56x128xf32, #tpu.memory_space<vmem>>
      tpu.enqueue_dma source(%dma_start3A_135 : memref<56x128xf32, #tpu.memory_space<vmem>>) target(%dma_start3A_132 : memref<56x128xf32, #tpu.memory_space<vmem_shared>>) target_semaphore(%run_scoped3A : memref<!tpu.dma_semaphore, #tpu.memory_space<semaphore_mem>>)
      %dma_wait3A = arith.constant 0 : i32
      %dma_wait3A_136 = arith.constant 0 : i32
      %dma_wait3A_137 = tpu.memref_slice %arg9[%dma_wait3A, %dma_wait3A_136] : memref<64x128xf32, #tpu.memory_space<vmem>> -> memref<56x128xf32, #tpu.memory_space<vmem>>
      %dma_wait3A_138 = arith.constant 0 : i32
      %dma_wait3A_139 = tpu.memref_slice %arg6[%sub3A_47, %dma_wait3A_138] : memref<10112x128xf32, #tpu.memory_space<vmem_shared>> -> memref<56x128xf32, #tpu.memory_space<vmem_shared>>
      %dma_wait3A_140 = arith.constant 0 : i32
      %dma_wait3A_141 = tpu.memref_slice %arg6[%sub3A_47, %dma_wait3A_140] : memref<10112x128xf32, #tpu.memory_space<vmem_shared>> -> memref<56x128xf32, #tpu.memory_space<vmem_shared>>
      %dma_wait3A_142 = arith.constant 0 : i32
      %dma_wait3A_143 = arith.constant 0 : i32
      %dma_wait3A_144 = tpu.memref_slice %arg9[%dma_wait3A_142, %dma_wait3A_143] : memref<64x128xf32, #tpu.memory_space<vmem>> -> memref<56x128xf32, #tpu.memory_space<vmem>>
      tpu.wait_dma2 semaphore(%run_scoped3A : memref<!tpu.dma_semaphore, #tpu.memory_space<semaphore_mem>>) src(%dma_wait3A_144 : memref<56x128xf32, #tpu.memory_space<vmem>>) dst(%dma_wait3A_141 : memref<56x128xf32, #tpu.memory_space<vmem_shared>>)
      tpu.yield
    }) : () -> ()
    %mul3A_48 = arith.constant 640 : i32
    %mul3A_49 = arith.muli %arg1, %mul3A_48 : i32
    "tpu.region"() ({
      %run_scoped3A = tpu.sem_alloc : memref<!tpu.dma_semaphore, #tpu.memory_space<semaphore_mem>>
      %dma_start3A = tpu.memref_slice %arg7[%mul3A_49] : memref<10240xf32, #tpu.memory_space<vmem_shared>> -> memref<640xf32, #tpu.memory_space<vmem_shared>>
      %dma_start3A_127 = tpu.memref_slice %arg7[%mul3A_49] : memref<10240xf32, #tpu.memory_space<vmem_shared>> -> memref<640xf32, #tpu.memory_space<vmem_shared>>
      tpu.enqueue_dma source(%arg16 : memref<640xf32, #tpu.memory_space<vmem>>) target(%dma_start3A_127 : memref<640xf32, #tpu.memory_space<vmem_shared>>) target_semaphore(%run_scoped3A : memref<!tpu.dma_semaphore, #tpu.memory_space<semaphore_mem>>)
      %dma_wait3A = tpu.memref_slice %arg7[%mul3A_49] : memref<10240xf32, #tpu.memory_space<vmem_shared>> -> memref<640xf32, #tpu.memory_space<vmem_shared>>
      %dma_wait3A_128 = tpu.memref_slice %arg7[%mul3A_49] : memref<10240xf32, #tpu.memory_space<vmem_shared>> -> memref<640xf32, #tpu.memory_space<vmem_shared>>
      tpu.wait_dma2 semaphore(%run_scoped3A : memref<!tpu.dma_semaphore, #tpu.memory_space<semaphore_mem>>) src(%arg16 : memref<640xf32, #tpu.memory_space<vmem>>) dst(%dma_wait3A_128 : memref<640xf32, #tpu.memory_space<vmem_shared>>)
      tpu.yield
    }) : () -> ()
    %barrier3A = arith.constant 0 : index
    tpu.barrier barrier_id(%barrier3A)
    %eq3A = arith.constant 0 : i32
    %eq3A_50 = arith.cmpi eq, %arg0, %eq3A : i32
    %jit3A = arith.constant 9 : i32
    %jit3A_51 = arith.constant 1 : i32
    %select_n3A = arith.select %eq3A_50, %jit3A, %jit3A_51 : i32
    %eq3A_52 = arith.constant 0 : i32
    %eq3A_53 = arith.cmpi eq, %arg0, %eq3A_52 : i32
    %mul3A_54 = arith.constant 9 : i32
    %mul3A_55 = arith.muli %arg1, %mul3A_54 : i32
    %mul3A_56 = arith.constant 1 : i32
    %mul3A_57 = arith.muli %arg1, %mul3A_56 : i32
    %add3A_58 = arith.constant 144 : i32
    %add3A_59 = arith.addi %add3A_58, %mul3A_57 : i32
    %select_n3A_60 = arith.select %eq3A_53, %mul3A_55, %add3A_59 : i32
    %sub3A_61 = arith.constant 0 : i32
    %sub3A_62 = arith.subi %select_n3A, %sub3A_61 : i32
    %sub3A_63 = arith.constant 1 : i32
    %sub3A_64 = arith.constant 1 : i32
    %sub3A_65 = arith.subi %sub3A_63, %sub3A_64 : i32
    %add3A_66 = arith.addi %sub3A_62, %sub3A_65 : i32
    %div3A = arith.constant 1 : i32
    %div3A_67 = arith.divsi %add3A_66, %div3A : i32
    %while3A = arith.constant 1 : i32
    %while3A_68 = arith.constant 0 : i32
    %while3A_69 = arith.constant 0 : i32
    %while3A_70 = arith.subi %div3A_67, %while3A_69 : i32
    %while3A_71 = arith.addi %while3A_69, %while3A_70 : i32
    %while3A_72 = arith.constant 1 : i32
    %while3A_73 = arith.divsi %while3A_70, %while3A_72 : i32
    %while3A_74 = arith.muli %while3A_73, %while3A_72 : i32
    %while3A_75 = arith.addi %while3A_69, %while3A_74 : i32
    %while3A_76 = arith.constant 1 : i32
    scf.for %while3A_127 = %while3A_69 to %while3A_75 step %while3A_76  : i32 {
      %mul3A_128 = arith.muli %while3A_127, %while3A : i32
      %add3A_129 = arith.addi %while3A_68, %mul3A_128 : i32
      %add3A_130 = arith.addi %select_n3A_60, %add3A_129 : i32
      "tpu.region"() ({
        %run_scoped3A = tpu.sem_alloc : memref<!tpu.dma_semaphore, #tpu.memory_space<semaphore_mem>>
        %dma_start3A_295 = arith.constant 0 : i32
        %dma_start3A_296 = arith.constant 0 : i32
        %dma_start3A_297 = tpu.memref_slice %arg3[%add3A_130, %dma_start3A_295, %dma_start3A_296] : memref<160x16x128xi32, #tpu.memory_space<hbm>> -> memref<1x16x128xi32, #tpu.memory_space<hbm>>
        %dma_start3A_298 = tpu.memref_squeeze %dma_start3A_297 : memref<1x16x128xi32, #tpu.memory_space<hbm>> -> memref<16x128xi32, #tpu.memory_space<hbm>>
        %dma_start3A_299 = arith.constant 0 : i32
        %dma_start3A_300 = arith.constant 0 : i32
        %dma_start3A_301 = tpu.memref_slice %arg3[%add3A_130, %dma_start3A_299, %dma_start3A_300] : memref<160x16x128xi32, #tpu.memory_space<hbm>> -> memref<1x16x128xi32, #tpu.memory_space<hbm>>
        %dma_start3A_302 = tpu.memref_squeeze %dma_start3A_301 : memref<1x16x128xi32, #tpu.memory_space<hbm>> -> memref<16x128xi32, #tpu.memory_space<hbm>>
        tpu.enqueue_dma source(%dma_start3A_302 : memref<16x128xi32, #tpu.memory_space<hbm>>) target(%arg8 : memref<16x128xi32, #tpu.memory_space<vmem>>) target_semaphore(%run_scoped3A : memref<!tpu.dma_semaphore, #tpu.memory_space<semaphore_mem>>)
        %dma_wait3A_303 = arith.constant 0 : i32
        %dma_wait3A_304 = arith.constant 0 : i32
        %dma_wait3A_305 = tpu.memref_slice %arg3[%add3A_130, %dma_wait3A_303, %dma_wait3A_304] : memref<160x16x128xi32, #tpu.memory_space<hbm>> -> memref<1x16x128xi32, #tpu.memory_space<hbm>>
        %dma_wait3A_306 = tpu.memref_squeeze %dma_wait3A_305 : memref<1x16x128xi32, #tpu.memory_space<hbm>> -> memref<16x128xi32, #tpu.memory_space<hbm>>
        %dma_wait3A_307 = arith.constant 0 : i32
        %dma_wait3A_308 = arith.constant 0 : i32
        %dma_wait3A_309 = tpu.memref_slice %arg3[%add3A_130, %dma_wait3A_307, %dma_wait3A_308] : memref<160x16x128xi32, #tpu.memory_space<hbm>> -> memref<1x16x128xi32, #tpu.memory_space<hbm>>
        %dma_wait3A_310 = tpu.memref_squeeze %dma_wait3A_309 : memref<1x16x128xi32, #tpu.memory_space<hbm>> -> memref<16x128xi32, #tpu.memory_space<hbm>>
        tpu.wait_dma2 semaphore(%run_scoped3A : memref<!tpu.dma_semaphore, #tpu.memory_space<semaphore_mem>>) src(%dma_wait3A_310 : memref<16x128xi32, #tpu.memory_space<hbm>>) dst(%arg8 : memref<16x128xi32, #tpu.memory_space<vmem>>)
        tpu.yield
      }) : () -> ()
      %get3A = arith.constant 0 : i32
      %get3A_131 = arith.index_cast %get3A : i32 to index
      %get3A_132 = arith.constant 0 : index
      %get3A_133 = tpu.vector_load %arg8[%get3A_131, %get3A_132] {strides = array<i32>} : memref<16x128xi32, #tpu.memory_space<vmem>>, vector<1x16xi32>,
      %get3A_134 = vector.shape_cast %get3A_133 : vector<1x16xi32> to vector<16xi32>
      %and3A = arith.constant 65535 : i32
      %and3A_135 = vector.broadcast %and3A : i32 to vector<16xi32>
      %and3A_136 = arith.andi %get3A_134, %and3A_135 : vector<16xi32>
      %swap3A_137 = arith.constant 0 : index
      %swap3A_138 = tpu.vector_load %arg11[%swap3A_137] {strides = array<i32>} : memref<64xi32, #tpu.memory_space<vmem>>, vector<16xi32>,
      %swap3A_139 = vector.shape_cast %swap3A_138 : vector<16xi32> to vector<16xi32>
      %swap3A_140 = vector.shape_cast %and3A_136 : vector<16xi32> to vector<16xi32>
      tpu.vector_store %arg11[%swap3A_137], %swap3A_140 {strides = array<i32>} : memref<64xi32, #tpu.memory_space<vmem>>, vector<16xi32>,
      %shift_right_arithmetic3A = arith.constant 16 : i32
      %shift_right_arithmetic3A_141 = vector.broadcast %shift_right_arithmetic3A : i32 to vector<16xi32>
      %shift_right_arithmetic3A_142 = arith.shrsi %get3A_134, %shift_right_arithmetic3A_141 : vector<16xi32>
      %swap3A_143 = arith.constant 0 : index
      %swap3A_144 = tpu.vector_load %arg13[%swap3A_143] {strides = array<i32>} : memref<64xi32, #tpu.memory_space<vmem>>, vector<16xi32>,
      %swap3A_145 = vector.shape_cast %swap3A_144 : vector<16xi32> to vector<16xi32>
      %swap3A_146 = vector.shape_cast %shift_right_arithmetic3A_142 : vector<16xi32> to vector<16xi32>
      tpu.vector_store %arg13[%swap3A_143], %swap3A_146 {strides = array<i32>} : memref<64xi32, #tpu.memory_space<vmem>>, vector<16xi32>,
      %get3A_147 = arith.constant 0 : i32
      %get3A_148 = arith.index_cast %get3A_147 : i32 to index
      %get3A_149 = arith.constant 16 : index
      %get3A_150 = tpu.vector_load %arg8[%get3A_148, %get3A_149] {strides = array<i32>} : memref<16x128xi32, #tpu.memory_space<vmem>>, vector<1x16xi32>,
      %get3A_151 = vector.shape_cast %get3A_150 : vector<1x16xi32> to vector<16xi32>
      %and3A_152 = arith.constant 65535 : i32
      %and3A_153 = vector.broadcast %and3A_152 : i32 to vector<16xi32>
      %and3A_154 = arith.andi %get3A_151, %and3A_153 : vector<16xi32>
      %swap3A_155 = arith.constant 16 : index
      %swap3A_156 = tpu.vector_load %arg11[%swap3A_155] {strides = array<i32>} : memref<64xi32, #tpu.memory_space<vmem>>, vector<16xi32>,
      %swap3A_157 = vector.shape_cast %swap3A_156 : vector<16xi32> to vector<16xi32>
      %swap3A_158 = vector.shape_cast %and3A_154 : vector<16xi32> to vector<16xi32>
      tpu.vector_store %arg11[%swap3A_155], %swap3A_158 {strides = array<i32>} : memref<64xi32, #tpu.memory_space<vmem>>, vector<16xi32>,
      %shift_right_arithmetic3A_159 = arith.constant 16 : i32
      %shift_right_arithmetic3A_160 = vector.broadcast %shift_right_arithmetic3A_159 : i32 to vector<16xi32>
      %shift_right_arithmetic3A_161 = arith.shrsi %get3A_151, %shift_right_arithmetic3A_160 : vector<16xi32>
      %swap3A_162 = arith.constant 16 : index
      %swap3A_163 = tpu.vector_load %arg13[%swap3A_162] {strides = array<i32>} : memref<64xi32, #tpu.memory_space<vmem>>, vector<16xi32>,
      %swap3A_164 = vector.shape_cast %swap3A_163 : vector<16xi32> to vector<16xi32>
      %swap3A_165 = vector.shape_cast %shift_right_arithmetic3A_161 : vector<16xi32> to vector<16xi32>
      tpu.vector_store %arg13[%swap3A_162], %swap3A_165 {strides = array<i32>} : memref<64xi32, #tpu.memory_space<vmem>>, vector<16xi32>,
      %get3A_166 = arith.constant 0 : i32
      %get3A_167 = arith.index_cast %get3A_166 : i32 to index
      %get3A_168 = arith.constant 32 : index
      %get3A_169 = tpu.vector_load %arg8[%get3A_167, %get3A_168] {strides = array<i32>} : memref<16x128xi32, #tpu.memory_space<vmem>>, vector<1x16xi32>,
      %get3A_170 = vector.shape_cast %get3A_169 : vector<1x16xi32> to vector<16xi32>
      %and3A_171 = arith.constant 65535 : i32
      %and3A_172 = vector.broadcast %and3A_171 : i32 to vector<16xi32>
      %and3A_173 = arith.andi %get3A_170, %and3A_172 : vector<16xi32>
      %swap3A_174 = arith.constant 32 : index
      %swap3A_175 = tpu.vector_load %arg11[%swap3A_174] {strides = array<i32>} : memref<64xi32, #tpu.memory_space<vmem>>, vector<16xi32>,
      %swap3A_176 = vector.shape_cast %swap3A_175 : vector<16xi32> to vector<16xi32>
      %swap3A_177 = vector.shape_cast %and3A_173 : vector<16xi32> to vector<16xi32>
      tpu.vector_store %arg11[%swap3A_174], %swap3A_177 {strides = array<i32>} : memref<64xi32, #tpu.memory_space<vmem>>, vector<16xi32>,
      %shift_right_arithmetic3A_178 = arith.constant 16 : i32
      %shift_right_arithmetic3A_179 = vector.broadcast %shift_right_arithmetic3A_178 : i32 to vector<16xi32>
      %shift_right_arithmetic3A_180 = arith.shrsi %get3A_170, %shift_right_arithmetic3A_179 : vector<16xi32>
      %swap3A_181 = arith.constant 32 : index
      %swap3A_182 = tpu.vector_load %arg13[%swap3A_181] {strides = array<i32>} : memref<64xi32, #tpu.memory_space<vmem>>, vector<16xi32>,
      %swap3A_183 = vector.shape_cast %swap3A_182 : vector<16xi32> to vector<16xi32>
      %swap3A_184 = vector.shape_cast %shift_right_arithmetic3A_180 : vector<16xi32> to vector<16xi32>
      tpu.vector_store %arg13[%swap3A_181], %swap3A_184 {strides = array<i32>} : memref<64xi32, #tpu.memory_space<vmem>>, vector<16xi32>,
      %get3A_185 = arith.constant 0 : i32
      %get3A_186 = arith.index_cast %get3A_185 : i32 to index
      %get3A_187 = arith.constant 48 : index
      %get3A_188 = tpu.vector_load %arg8[%get3A_186, %get3A_187] {strides = array<i32>} : memref<16x128xi32, #tpu.memory_space<vmem>>, vector<1x16xi32>,
      %get3A_189 = vector.shape_cast %get3A_188 : vector<1x16xi32> to vector<16xi32>
      %and3A_190 = arith.constant 65535 : i32
      %and3A_191 = vector.broadcast %and3A_190 : i32 to vector<16xi32>
      %and3A_192 = arith.andi %get3A_189, %and3A_191 : vector<16xi32>
      %swap3A_193 = arith.constant 48 : index
      %swap3A_194 = tpu.vector_load %arg11[%swap3A_193] {strides = array<i32>} : memref<64xi32, #tpu.memory_space<vmem>>, vector<16xi32>,
      %swap3A_195 = vector.shape_cast %swap3A_194 : vector<16xi32> to vector<16xi32>
      %swap3A_196 = vector.shape_cast %and3A_192 : vector<16xi32> to vector<16xi32>
      tpu.vector_store %arg11[%swap3A_193], %swap3A_196 {strides = array<i32>} : memref<64xi32, #tpu.memory_space<vmem>>, vector<16xi32>,
      %shift_right_arithmetic3A_197 = arith.constant 16 : i32
      %shift_right_arithmetic3A_198 = vector.broadcast %shift_right_arithmetic3A_197 : i32 to vector<16xi32>
      %shift_right_arithmetic3A_199 = arith.shrsi %get3A_189, %shift_right_arithmetic3A_198 : vector<16xi32>
      %swap3A_200 = arith.constant 48 : index
      %swap3A_201 = tpu.vector_load %arg13[%swap3A_200] {strides = array<i32>} : memref<64xi32, #tpu.memory_space<vmem>>, vector<16xi32>,
      %swap3A_202 = vector.shape_cast %swap3A_201 : vector<16xi32> to vector<16xi32>
      %swap3A_203 = vector.shape_cast %shift_right_arithmetic3A_199 : vector<16xi32> to vector<16xi32>
      tpu.vector_store %arg13[%swap3A_200], %swap3A_203 {strides = array<i32>} : memref<64xi32, #tpu.memory_space<vmem>>, vector<16xi32>,
      %dma_start3A = arith.constant 0 : i32
      %dma_start3A_204 = arith.constant 0 : i32
      %dma_start3A_205 = tpu.memref_slice %arg2[%dma_start3A, %dma_start3A_204] : memref<10000x128xf32, #tpu.memory_space<hbm>> -> memref<10000x128xf32, #tpu.memory_space<hbm>>
      tpu.enqueue_indirect_dma source(%dma_start3A_205 : memref<10000x128xf32, #tpu.memory_space<hbm>>) target(%arg9 : memref<64x128xf32, #tpu.memory_space<vmem>>) offsets(%arg11 : memref<64xi32, #tpu.memory_space<vmem>>) semaphore(%arg17 : memref<!tpu.dma_semaphore, #tpu.memory_space<semaphore_mem>>)
      %get3A_206 = arith.constant 0 : i32
      %get3A_207 = arith.index_cast %get3A_206 : i32 to index
      %get3A_208 = arith.constant 64 : index
      %get3A_209 = tpu.vector_load %arg8[%get3A_207, %get3A_208] {strides = array<i32>} : memref<16x128xi32, #tpu.memory_space<vmem>>, vector<1x16xi32>,
      %get3A_210 = vector.shape_cast %get3A_209 : vector<1x16xi32> to vector<16xi32>
      %and3A_211 = arith.constant 65535 : i32
      %and3A_212 = vector.broadcast %and3A_211 : i32 to vector<16xi32>
      %and3A_213 = arith.andi %get3A_210, %and3A_212 : vector<16xi32>
      %swap3A_214 = arith.constant 0 : index
      %swap3A_215 = tpu.vector_load %arg12[%swap3A_214] {strides = array<i32>} : memref<64xi32, #tpu.memory_space<vmem>>, vector<16xi32>,
      %swap3A_216 = vector.shape_cast %swap3A_215 : vector<16xi32> to vector<16xi32>
      %swap3A_217 = vector.shape_cast %and3A_213 : vector<16xi32> to vector<16xi32>
      tpu.vector_store %arg12[%swap3A_214], %swap3A_217 {strides = array<i32>} : memref<64xi32, #tpu.memory_space<vmem>>, vector<16xi32>,
      %shift_right_arithmetic3A_218 = arith.constant 16 : i32
      %shift_right_arithmetic3A_219 = vector.broadcast %shift_right_arithmetic3A_218 : i32 to vector<16xi32>
      %shift_right_arithmetic3A_220 = arith.shrsi %get3A_210, %shift_right_arithmetic3A_219 : vector<16xi32>
      %swap3A_221 = arith.constant 0 : index
      %swap3A_222 = tpu.vector_load %arg14[%swap3A_221] {strides = array<i32>} : memref<64xi32, #tpu.memory_space<vmem>>, vector<16xi32>,
      %swap3A_223 = vector.shape_cast %swap3A_222 : vector<16xi32> to vector<16xi32>
      %swap3A_224 = vector.shape_cast %shift_right_arithmetic3A_220 : vector<16xi32> to vector<16xi32>
      tpu.vector_store %arg14[%swap3A_221], %swap3A_224 {strides = array<i32>} : memref<64xi32, #tpu.memory_space<vmem>>, vector<16xi32>,
      %get3A_225 = arith.constant 0 : i32
      %get3A_226 = arith.index_cast %get3A_225 : i32 to index
      %get3A_227 = arith.constant 80 : index
      %get3A_228 = tpu.vector_load %arg8[%get3A_226, %get3A_227] {strides = array<i32>} : memref<16x128xi32, #tpu.memory_space<vmem>>, vector<1x16xi32>,
      %get3A_229 = vector.shape_cast %get3A_228 : vector<1x16xi32> to vector<16xi32>
      %and3A_230 = arith.constant 65535 : i32
      %and3A_231 = vector.broadcast %and3A_230 : i32 to vector<16xi32>
      %and3A_232 = arith.andi %get3A_229, %and3A_231 : vector<16xi32>
      %swap3A_233 = arith.constant 16 : index
      %swap3A_234 = tpu.vector_load %arg12[%swap3A_233] {strides = array<i32>} : memref<64xi32, #tpu.memory_space<vmem>>, vector<16xi32>,
      %swap3A_235 = vector.shape_cast %swap3A_234 : vector<16xi32> to vector<16xi32>
      %swap3A_236 = vector.shape_cast %and3A_232 : vector<16xi32> to vector<16xi32>
      tpu.vector_store %arg12[%swap3A_233], %swap3A_236 {strides = array<i32>} : memref<64xi32, #tpu.memory_space<vmem>>, vector<16xi32>,
      %shift_right_arithmetic3A_237 = arith.constant 16 : i32
      %shift_right_arithmetic3A_238 = vector.broadcast %shift_right_arithmetic3A_237 : i32 to vector<16xi32>
      %shift_right_arithmetic3A_239 = arith.shrsi %get3A_229, %shift_right_arithmetic3A_238 : vector<16xi32>
      %swap3A_240 = arith.constant 16 : index
      %swap3A_241 = tpu.vector_load %arg14[%swap3A_240] {strides = array<i32>} : memref<64xi32, #tpu.memory_space<vmem>>, vector<16xi32>,
      %swap3A_242 = vector.shape_cast %swap3A_241 : vector<16xi32> to vector<16xi32>
      %swap3A_243 = vector.shape_cast %shift_right_arithmetic3A_239 : vector<16xi32> to vector<16xi32>
      tpu.vector_store %arg14[%swap3A_240], %swap3A_243 {strides = array<i32>} : memref<64xi32, #tpu.memory_space<vmem>>, vector<16xi32>,
      %get3A_244 = arith.constant 0 : i32
      %get3A_245 = arith.index_cast %get3A_244 : i32 to index
      %get3A_246 = arith.constant 96 : index
      %get3A_247 = tpu.vector_load %arg8[%get3A_245, %get3A_246] {strides = array<i32>} : memref<16x128xi32, #tpu.memory_space<vmem>>, vector<1x16xi32>,
      %get3A_248 = vector.shape_cast %get3A_247 : vector<1x16xi32> to vector<16xi32>
      %and3A_249 = arith.constant 65535 : i32
      %and3A_250 = vector.broadcast %and3A_249 : i32 to vector<16xi32>
      %and3A_251 = arith.andi %get3A_248, %and3A_250 : vector<16xi32>
      %swap3A_252 = arith.constant 32 : index
      %swap3A_253 = tpu.vector_load %arg12[%swap3A_252] {strides = array<i32>} : memref<64xi32, #tpu.memory_space<vmem>>, vector<16xi32>,
      %swap3A_254 = vector.shape_cast %swap3A_253 : vector<16xi32> to vector<16xi32>
      %swap3A_255 = vector.shape_cast %and3A_251 : vector<16xi32> to vector<16xi32>
      tpu.vector_store %arg12[%swap3A_252], %swap3A_255 {strides = array<i32>} : memref<64xi32, #tpu.memory_space<vmem>>, vector<16xi32>,
      %shift_right_arithmetic3A_256 = arith.constant 16 : i32
      %shift_right_arithmetic3A_257 = vector.broadcast %shift_right_arithmetic3A_256 : i32 to vector<16xi32>
      %shift_right_arithmetic3A_258 = arith.shrsi %get3A_248, %shift_right_arithmetic3A_257 : vector<16xi32>
      %swap3A_259 = arith.constant 32 : index
      %swap3A_260 = tpu.vector_load %arg14[%swap3A_259] {strides = array<i32>} : memref<64xi32, #tpu.memory_space<vmem>>, vector<16xi32>,
      %swap3A_261 = vector.shape_cast %swap3A_260 : vector<16xi32> to vector<16xi32>
      %swap3A_262 = vector.shape_cast %shift_right_arithmetic3A_258 : vector<16xi32> to vector<16xi32>
      tpu.vector_store %arg14[%swap3A_259], %swap3A_262 {strides = array<i32>} : memref<64xi32, #tpu.memory_space<vmem>>, vector<16xi32>,
      %get3A_263 = arith.constant 0 : i32
      %get3A_264 = arith.index_cast %get3A_263 : i32 to index
      %get3A_265 = arith.constant 112 : index
      %get3A_266 = tpu.vector_load %arg8[%get3A_264, %get3A_265] {strides = array<i32>} : memref<16x128xi32, #tpu.memory_space<vmem>>, vector<1x16xi32>,
      %get3A_267 = vector.shape_cast %get3A_266 : vector<1x16xi32> to vector<16xi32>
      %and3A_268 = arith.constant 65535 : i32
      %and3A_269 = vector.broadcast %and3A_268 : i32 to vector<16xi32>
      %and3A_270 = arith.andi %get3A_267, %and3A_269 : vector<16xi32>
      %swap3A_271 = arith.constant 48 : index
      %swap3A_272 = tpu.vector_load %arg12[%swap3A_271] {strides = array<i32>} : memref<64xi32, #tpu.memory_space<vmem>>, vector<16xi32>,
      %swap3A_273 = vector.shape_cast %swap3A_272 : vector<16xi32> to vector<16xi32>
      %swap3A_274 = vector.shape_cast %and3A_270 : vector<16xi32> to vector<16xi32>
      tpu.vector_store %arg12[%swap3A_271], %swap3A_274 {strides = array<i32>} : memref<64xi32, #tpu.memory_space<vmem>>, vector<16xi32>,
      %shift_right_arithmetic3A_275 = arith.constant 16 : i32
      %shift_right_arithmetic3A_276 = vector.broadcast %shift_right_arithmetic3A_275 : i32 to vector<16xi32>
      %shift_right_arithmetic3A_277 = arith.shrsi %get3A_267, %shift_right_arithmetic3A_276 : vector<16xi32>
      %swap3A_278 = arith.constant 48 : index
      %swap3A_279 = tpu.vector_load %arg14[%swap3A_278] {strides = array<i32>} : memref<64xi32, #tpu.memory_space<vmem>>, vector<16xi32>,
      %swap3A_280 = vector.shape_cast %swap3A_279 : vector<16xi32> to vector<16xi32>
      %swap3A_281 = vector.shape_cast %shift_right_arithmetic3A_277 : vector<16xi32> to vector<16xi32>
      tpu.vector_store %arg14[%swap3A_278], %swap3A_281 {strides = array<i32>} : memref<64xi32, #tpu.memory_space<vmem>>, vector<16xi32>,
      %dma_start3A_282 = arith.constant 0 : i32
      %dma_start3A_283 = arith.constant 0 : i32
      %dma_start3A_284 = tpu.memref_slice %arg2[%dma_start3A_282, %dma_start3A_283] : memref<10000x128xf32, #tpu.memory_space<hbm>> -> memref<10000x128xf32, #tpu.memory_space<hbm>>
      tpu.enqueue_indirect_dma source(%dma_start3A_284 : memref<10000x128xf32, #tpu.memory_space<hbm>>) target(%arg10 : memref<64x128xf32, #tpu.memory_space<vmem>>) offsets(%arg12 : memref<64xi32, #tpu.memory_space<vmem>>) semaphore(%arg18 : memref<!tpu.dma_semaphore, #tpu.memory_space<semaphore_mem>>)
      %scan3A_285 = arith.constant 0 : i32
      %scan3A_286 = arith.constant 15 : i32
      %scan3A_287 = arith.addi %scan3A_285, %scan3A_286 : i32
      %scan3A_288 = arith.constant 1 : i32
      scf.for %scan3A_295 = %scan3A_285 to %scan3A_287 step %scan3A_288  : i32 {
        %mul3A_296 = arith.constant 1 : i32
        %mul3A_297 = arith.muli %scan3A_295, %mul3A_296 : i32
        %add3A_298 = arith.constant 0 : i32
        %add3A_299 = arith.addi %add3A_298, %mul3A_297 : i32
        %dma_wait3A_300 = arith.constant 0 : i32
        %dma_wait3A_301 = arith.constant 0 : i32
        %dma_wait3A_302 = tpu.memref_slice %arg2[%dma_wait3A_300, %dma_wait3A_301] : memref<10000x128xf32, #tpu.memory_space<hbm>> -> memref<10000x128xf32, #tpu.memory_space<hbm>>
        tpu.wait_indirect_dma semaphore(%arg17 : memref<!tpu.dma_semaphore, #tpu.memory_space<semaphore_mem>>) src(%dma_wait3A_302 : memref<10000x128xf32, #tpu.memory_space<hbm>>) dst(%arg9 : memref<64x128xf32, #tpu.memory_space<vmem>>)
        "tpu.region"() ({
          %run_scoped3A = tpu.sem_alloc : memref<!tpu.dma_semaphore, #tpu.memory_space<semaphore_mem>>
          %dma_start3A_564 = arith.constant 0 : i32
          %dma_start3A_565 = arith.constant 0 : i32
          %dma_start3A_566 = tpu.memref_slice %arg6[%dma_start3A_564, %dma_start3A_565] : memref<10112x128xf32, #tpu.memory_space<vmem_shared>> -> memref<10112x128xf32, #tpu.memory_space<vmem_shared>>
          tpu.enqueue_indirect_dma source(%arg9 : memref<64x128xf32, #tpu.memory_space<vmem>>) target(%dma_start3A_566 : memref<10112x128xf32, #tpu.memory_space<vmem_shared>>) offsets(%arg13 : memref<64xi32, #tpu.memory_space<vmem>>) semaphore(%run_scoped3A : memref<!tpu.dma_semaphore, #tpu.memory_space<semaphore_mem>>) {add = true}
          %dma_wait3A_567 = arith.constant 0 : i32
          %dma_wait3A_568 = arith.constant 0 : i32
          %dma_wait3A_569 = tpu.memref_slice %arg6[%dma_wait3A_567, %dma_wait3A_568] : memref<10112x128xf32, #tpu.memory_space<vmem_shared>> -> memref<10112x128xf32, #tpu.memory_space<vmem_shared>>
          tpu.wait_indirect_dma semaphore(%run_scoped3A : memref<!tpu.dma_semaphore, #tpu.memory_space<semaphore_mem>>) src(%arg9 : memref<64x128xf32, #tpu.memory_space<vmem>>) dst(%dma_wait3A_569 : memref<10112x128xf32, #tpu.memory_space<vmem_shared>>)
          tpu.yield
        }) : () -> ()
        "tpu.region"() ({
          %run_scoped3A = tpu.sem_alloc : memref<!tpu.dma_semaphore, #tpu.memory_space<semaphore_mem>>
          %dma_start3A_564 = arith.constant 0 : i32
          %dma_start3A_565 = tpu.memref_slice %arg7[%dma_start3A_564] : memref<10240xf32, #tpu.memory_space<vmem_shared>> -> memref<10240xf32, #tpu.memory_space<vmem_shared>>
          tpu.enqueue_indirect_dma source(%arg15 : memref<64xf32, #tpu.memory_space<vmem>>) target(%dma_start3A_565 : memref<10240xf32, #tpu.memory_space<vmem_shared>>) offsets(%arg13 : memref<64xi32, #tpu.memory_space<vmem>>) semaphore(%run_scoped3A : memref<!tpu.dma_semaphore, #tpu.memory_space<semaphore_mem>>) {add = true}
          %dma_wait3A_566 = arith.constant 0 : i32
          %dma_wait3A_567 = tpu.memref_slice %arg7[%dma_wait3A_566] : memref<10240xf32, #tpu.memory_space<vmem_shared>> -> memref<10240xf32, #tpu.memory_space<vmem_shared>>
          tpu.wait_indirect_dma semaphore(%run_scoped3A : memref<!tpu.dma_semaphore, #tpu.memory_space<semaphore_mem>>) src(%arg15 : memref<64xf32, #tpu.memory_space<vmem>>) dst(%dma_wait3A_567 : memref<10240xf32, #tpu.memory_space<vmem_shared>>)
          tpu.yield
        }) : () -> ()
        %mul3A_303 = arith.constant 2 : i32
        %mul3A_304 = arith.muli %mul3A_303, %add3A_299 : i32
        %add3A_305 = arith.constant 2 : i32
        %add3A_306 = arith.addi %mul3A_304, %add3A_305 : i32
        %add3A_307 = arith.constant 0 : i32
        %add3A_308 = arith.addi %add3A_306, %add3A_307 : i32
        %jit3A_309 = arith.constant 2 : i32
        %div3A_310 = arith.divsi %add3A_308, %jit3A_309 : i32
        %sign3A = arith.constant 0 : i32
        %sign3A_311 = arith.cmpi sgt, %add3A_308, %sign3A : i32
        %sign3A_312 = arith.extui %sign3A_311 : i1 to i32
        %sign3A_313 = arith.constant 0 : i32
        %sign3A_314 = arith.cmpi slt, %add3A_308, %sign3A_313 : i32
        %sign3A_315 = arith.extui %sign3A_314 : i1 to i32
        %sign3A_316 = arith.subi %sign3A_312, %sign3A_315 : i32
        %sign3A_317 = arith.constant 0 : i32
        %sign3A_318 = arith.cmpi sgt, %jit3A_309, %sign3A_317 : i32
        %sign3A_319 = arith.extui %sign3A_318 : i1 to i32
        %sign3A_320 = arith.constant 0 : i32
        %sign3A_321 = arith.cmpi slt, %jit3A_309, %sign3A_320 : i32
        %sign3A_322 = arith.extui %sign3A_321 : i1 to i32
        %sign3A_323 = arith.subi %sign3A_319, %sign3A_322 : i32
        %ne3A = arith.cmpi ne, %sign3A_316, %sign3A_323 : i32
        %rem3A = arith.remsi %add3A_308, %jit3A_309 : i32
        %ne3A_324 = arith.constant 0 : i32
        %ne3A_325 = arith.cmpi ne, %rem3A, %ne3A_324 : i32
        %and3A_326 = arith.andi %ne3A, %ne3A_325 : i1
        %sub3A_327 = arith.constant 1 : i32
        %sub3A_328 = arith.subi %div3A_310, %sub3A_327 : i32
        %select_n3A_329 = arith.select %and3A_326, %sub3A_328, %div3A_310 : i32
        %jit3A_330 = arith.constant 2 : i32
        %eq3A_331 = arith.constant 0 : i32
        %eq3A_332 = arith.cmpi eq, %jit3A_330, %eq3A_331 : i32
        %jit3A_333 = arith.constant 1 : i32
        %select_n3A_334 = arith.select %eq3A_332, %jit3A_333, %jit3A_330 : i32
        %rem3A_335 = arith.remsi %add3A_308, %select_n3A_334 : i32
        %ne3A_336 = arith.constant 0 : i32
        %ne3A_337 = arith.cmpi ne, %rem3A_335, %ne3A_336 : i32
        %lt3A = arith.constant 0 : i32
        %lt3A_338 = arith.cmpi slt, %rem3A_335, %lt3A : i32
        %lt3A_339 = arith.constant 0 : i32
        %lt3A_340 = arith.cmpi slt, %select_n3A_334, %lt3A_339 : i32
        %ne3A_341 = arith.xori %lt3A_338, %lt3A_340 : i1
        %and3A_342 = arith.andi %ne3A_341, %ne3A_337 : i1
        %add3A_343 = arith.addi %rem3A_335, %select_n3A_334 : i32
        %select_n3A_344 = arith.select %and3A_342, %add3A_343, %rem3A_335 : i32
        %mul3A_345 = arith.constant 64 : i32
        %mul3A_346 = arith.muli %select_n3A_344, %mul3A_345 : i32
        %add3A_347 = arith.constant 0 : i32
        %add3A_348 = arith.addi %mul3A_346, %add3A_347 : i32
        %get3A_349 = arith.index_cast %select_n3A_329 : i32 to index
        %get3A_350 = arith.index_cast %add3A_348 : i32 to index
        %get3A_351 = tpu.vector_load %arg8[%get3A_349, %get3A_350] {strides = array<i32>} : memref<16x128xi32, #tpu.memory_space<vmem>>, vector<1x16xi32>,
        %get3A_352 = vector.shape_cast %get3A_351 : vector<1x16xi32> to vector<16xi32>
        %and3A_353 = arith.constant 65535 : i32
        %and3A_354 = vector.broadcast %and3A_353 : i32 to vector<16xi32>
        %and3A_355 = arith.andi %get3A_352, %and3A_354 : vector<16xi32>
        %swap3A_356 = arith.constant 0 : index
        %swap3A_357 = tpu.vector_load %arg11[%swap3A_356] {strides = array<i32>} : memref<64xi32, #tpu.memory_space<vmem>>, vector<16xi32>,
        %swap3A_358 = vector.shape_cast %swap3A_357 : vector<16xi32> to vector<16xi32>
        %swap3A_359 = vector.shape_cast %and3A_355 : vector<16xi32> to vector<16xi32>
        tpu.vector_store %arg11[%swap3A_356], %swap3A_359 {strides = array<i32>} : memref<64xi32, #tpu.memory_space<vmem>>, vector<16xi32>,
        %shift_right_arithmetic3A_360 = arith.constant 16 : i32
        %shift_right_arithmetic3A_361 = vector.broadcast %shift_right_arithmetic3A_360 : i32 to vector<16xi32>
        %shift_right_arithmetic3A_362 = arith.shrsi %get3A_352, %shift_right_arithmetic3A_361 : vector<16xi32>
        %swap3A_363 = arith.constant 0 : index
        %swap3A_364 = tpu.vector_load %arg13[%swap3A_363] {strides = array<i32>} : memref<64xi32, #tpu.memory_space<vmem>>, vector<16xi32>,
        %swap3A_365 = vector.shape_cast %swap3A_364 : vector<16xi32> to vector<16xi32>
        %swap3A_366 = vector.shape_cast %shift_right_arithmetic3A_362 : vector<16xi32> to vector<16xi32>
        tpu.vector_store %arg13[%swap3A_363], %swap3A_366 {strides = array<i32>} : memref<64xi32, #tpu.memory_space<vmem>>, vector<16xi32>,
        %add3A_367 = arith.constant 16 : i32
        %add3A_368 = arith.addi %mul3A_346, %add3A_367 : i32
        %get3A_369 = arith.index_cast %select_n3A_329 : i32 to index
        %get3A_370 = arith.index_cast %add3A_368 : i32 to index
        %get3A_371 = tpu.vector_load %arg8[%get3A_369, %get3A_370] {strides = array<i32>} : memref<16x128xi32, #tpu.memory_space<vmem>>, vector<1x16xi32>,
        %get3A_372 = vector.shape_cast %get3A_371 : vector<1x16xi32> to vector<16xi32>
        %and3A_373 = arith.constant 65535 : i32
        %and3A_374 = vector.broadcast %and3A_373 : i32 to vector<16xi32>
        %and3A_375 = arith.andi %get3A_372, %and3A_374 : vector<16xi32>
        %swap3A_376 = arith.constant 16 : index
        %swap3A_377 = tpu.vector_load %arg11[%swap3A_376] {strides = array<i32>} : memref<64xi32, #tpu.memory_space<vmem>>, vector<16xi32>,
        %swap3A_378 = vector.shape_cast %swap3A_377 : vector<16xi32> to vector<16xi32>
        %swap3A_379 = vector.shape_cast %and3A_375 : vector<16xi32> to vector<16xi32>
        tpu.vector_store %arg11[%swap3A_376], %swap3A_379 {strides = array<i32>} : memref<64xi32, #tpu.memory_space<vmem>>, vector<16xi32>,
        %shift_right_arithmetic3A_380 = arith.constant 16 : i32
        %shift_right_arithmetic3A_381 = vector.broadcast %shift_right_arithmetic3A_380 : i32 to vector<16xi32>
        %shift_right_arithmetic3A_382 = arith.shrsi %get3A_372, %shift_right_arithmetic3A_381 : vector<16xi32>
        %swap3A_383 = arith.constant 16 : index
        %swap3A_384 = tpu.vector_load %arg13[%swap3A_383] {strides = array<i32>} : memref<64xi32, #tpu.memory_space<vmem>>, vector<16xi32>,
        %swap3A_385 = vector.shape_cast %swap3A_384 : vector<16xi32> to vector<16xi32>
        %swap3A_386 = vector.shape_cast %shift_right_arithmetic3A_382 : vector<16xi32> to vector<16xi32>
        tpu.vector_store %arg13[%swap3A_383], %swap3A_386 {strides = array<i32>} : memref<64xi32, #tpu.memory_space<vmem>>, vector<16xi32>,
        %add3A_387 = arith.constant 32 : i32
        %add3A_388 = arith.addi %mul3A_346, %add3A_387 : i32
        %get3A_389 = arith.index_cast %select_n3A_329 : i32 to index
        %get3A_390 = arith.index_cast %add3A_388 : i32 to index
        %get3A_391 = tpu.vector_load %arg8[%get3A_389, %get3A_390] {strides = array<i32>} : memref<16x128xi32, #tpu.memory_space<vmem>>, vector<1x16xi32>,
        %get3A_392 = vector.shape_cast %get3A_391 : vector<1x16xi32> to vector<16xi32>
        %and3A_393 = arith.constant 65535 : i32
        %and3A_394 = vector.broadcast %and3A_393 : i32 to vector<16xi32>
        %and3A_395 = arith.andi %get3A_392, %and3A_394 : vector<16xi32>
        %swap3A_396 = arith.constant 32 : index
        %swap3A_397 = tpu.vector_load %arg11[%swap3A_396] {strides = array<i32>} : memref<64xi32, #tpu.memory_space<vmem>>, vector<16xi32>,
        %swap3A_398 = vector.shape_cast %swap3A_397 : vector<16xi32> to vector<16xi32>
        %swap3A_399 = vector.shape_cast %and3A_395 : vector<16xi32> to vector<16xi32>
        tpu.vector_store %arg11[%swap3A_396], %swap3A_399 {strides = array<i32>} : memref<64xi32, #tpu.memory_space<vmem>>, vector<16xi32>,
        %shift_right_arithmetic3A_400 = arith.constant 16 : i32
        %shift_right_arithmetic3A_401 = vector.broadcast %shift_right_arithmetic3A_400 : i32 to vector<16xi32>
        %shift_right_arithmetic3A_402 = arith.shrsi %get3A_392, %shift_right_arithmetic3A_401 : vector<16xi32>
        %swap3A_403 = arith.constant 32 : index
        %swap3A_404 = tpu.vector_load %arg13[%swap3A_403] {strides = array<i32>} : memref<64xi32, #tpu.memory_space<vmem>>, vector<16xi32>,
        %swap3A_405 = vector.shape_cast %swap3A_404 : vector<16xi32> to vector<16xi32>
        %swap3A_406 = vector.shape_cast %shift_right_arithmetic3A_402 : vector<16xi32> to vector<16xi32>
        tpu.vector_store %arg13[%swap3A_403], %swap3A_406 {strides = array<i32>} : memref<64xi32, #tpu.memory_space<vmem>>, vector<16xi32>,
        %add3A_407 = arith.constant 48 : i32
        %add3A_408 = arith.addi %mul3A_346, %add3A_407 : i32
        %get3A_409 = arith.index_cast %select_n3A_329 : i32 to index
        %get3A_410 = arith.index_cast %add3A_408 : i32 to index
        %get3A_411 = tpu.vector_load %arg8[%get3A_409, %get3A_410] {strides = array<i32>} : memref<16x128xi32, #tpu.memory_space<vmem>>, vector<1x16xi32>,
        %get3A_412 = vector.shape_cast %get3A_411 : vector<1x16xi32> to vector<16xi32>
        %and3A_413 = arith.constant 65535 : i32
        %and3A_414 = vector.broadcast %and3A_413 : i32 to vector<16xi32>
        %and3A_415 = arith.andi %get3A_412, %and3A_414 : vector<16xi32>
        %swap3A_416 = arith.constant 48 : index
        %swap3A_417 = tpu.vector_load %arg11[%swap3A_416] {strides = array<i32>} : memref<64xi32, #tpu.memory_space<vmem>>, vector<16xi32>,
        %swap3A_418 = vector.shape_cast %swap3A_417 : vector<16xi32> to vector<16xi32>
        %swap3A_419 = vector.shape_cast %and3A_415 : vector<16xi32> to vector<16xi32>
        tpu.vector_store %arg11[%swap3A_416], %swap3A_419 {strides = array<i32>} : memref<64xi32, #tpu.memory_space<vmem>>, vector<16xi32>,
        %shift_right_arithmetic3A_420 = arith.constant 16 : i32
        %shift_right_arithmetic3A_421 = vector.broadcast %shift_right_arithmetic3A_420 : i32 to vector<16xi32>
        %shift_right_arithmetic3A_422 = arith.shrsi %get3A_412, %shift_right_arithmetic3A_421 : vector<16xi32>
        %swap3A_423 = arith.constant 48 : index
        %swap3A_424 = tpu.vector_load %arg13[%swap3A_423] {strides = array<i32>} : memref<64xi32, #tpu.memory_space<vmem>>, vector<16xi32>,
        %swap3A_425 = vector.shape_cast %swap3A_424 : vector<16xi32> to vector<16xi32>
        %swap3A_426 = vector.shape_cast %shift_right_arithmetic3A_422 : vector<16xi32> to vector<16xi32>
        tpu.vector_store %arg13[%swap3A_423], %swap3A_426 {strides = array<i32>} : memref<64xi32, #tpu.memory_space<vmem>>, vector<16xi32>,
        %dma_start3A_427 = arith.constant 0 : i32
        %dma_start3A_428 = arith.constant 0 : i32
        %dma_start3A_429 = tpu.memref_slice %arg2[%dma_start3A_427, %dma_start3A_428] : memref<10000x128xf32, #tpu.memory_space<hbm>> -> memref<10000x128xf32, #tpu.memory_space<hbm>>
        tpu.enqueue_indirect_dma source(%dma_start3A_429 : memref<10000x128xf32, #tpu.memory_space<hbm>>) target(%arg9 : memref<64x128xf32, #tpu.memory_space<vmem>>) offsets(%arg11 : memref<64xi32, #tpu.memory_space<vmem>>) semaphore(%arg17 : memref<!tpu.dma_semaphore, #tpu.memory_space<semaphore_mem>>)
        %dma_wait3A_430 = arith.constant 0 : i32
        %dma_wait3A_431 = arith.constant 0 : i32
        %dma_wait3A_432 = tpu.memref_slice %arg2[%dma_wait3A_430, %dma_wait3A_431] : memref<10000x128xf32, #tpu.memory_space<hbm>> -> memref<10000x128xf32, #tpu.memory_space<hbm>>
        tpu.wait_indirect_dma semaphore(%arg18 : memref<!tpu.dma_semaphore, #tpu.memory_space<semaphore_mem>>) src(%dma_wait3A_432 : memref<10000x128xf32, #tpu.memory_space<hbm>>) dst(%arg10 : memref<64x128xf32, #tpu.memory_space<vmem>>)
        "tpu.region"() ({
          %run_scoped3A = tpu.sem_alloc : memref<!tpu.dma_semaphore, #tpu.memory_space<semaphore_mem>>
          %dma_start3A_564 = arith.constant 0 : i32
          %dma_start3A_565 = arith.constant 0 : i32
          %dma_start3A_566 = tpu.memref_slice %arg6[%dma_start3A_564, %dma_start3A_565] : memref<10112x128xf32, #tpu.memory_space<vmem_shared>> -> memref<10112x128xf32, #tpu.memory_space<vmem_shared>>
          tpu.enqueue_indirect_dma source(%arg10 : memref<64x128xf32, #tpu.memory_space<vmem>>) target(%dma_start3A_566 : memref<10112x128xf32, #tpu.memory_space<vmem_shared>>) offsets(%arg14 : memref<64xi32, #tpu.memory_space<vmem>>) semaphore(%run_scoped3A : memref<!tpu.dma_semaphore, #tpu.memory_space<semaphore_mem>>) {add = true}
          %dma_wait3A_567 = arith.constant 0 : i32
          %dma_wait3A_568 = arith.constant 0 : i32
          %dma_wait3A_569 = tpu.memref_slice %arg6[%dma_wait3A_567, %dma_wait3A_568] : memref<10112x128xf32, #tpu.memory_space<vmem_shared>> -> memref<10112x128xf32, #tpu.memory_space<vmem_shared>>
          tpu.wait_indirect_dma semaphore(%run_scoped3A : memref<!tpu.dma_semaphore, #tpu.memory_space<semaphore_mem>>) src(%arg10 : memref<64x128xf32, #tpu.memory_space<vmem>>) dst(%dma_wait3A_569 : memref<10112x128xf32, #tpu.memory_space<vmem_shared>>)
          tpu.yield
        }) : () -> ()
        "tpu.region"() ({
          %run_scoped3A = tpu.sem_alloc : memref<!tpu.dma_semaphore, #tpu.memory_space<semaphore_mem>>
          %dma_start3A_564 = arith.constant 0 : i32
          %dma_start3A_565 = tpu.memref_slice %arg7[%dma_start3A_564] : memref<10240xf32, #tpu.memory_space<vmem_shared>> -> memref<10240xf32, #tpu.memory_space<vmem_shared>>
          tpu.enqueue_indirect_dma source(%arg15 : memref<64xf32, #tpu.memory_space<vmem>>) target(%dma_start3A_565 : memref<10240xf32, #tpu.memory_space<vmem_shared>>) offsets(%arg14 : memref<64xi32, #tpu.memory_space<vmem>>) semaphore(%run_scoped3A : memref<!tpu.dma_semaphore, #tpu.memory_space<semaphore_mem>>) {add = true}
          %dma_wait3A_566 = arith.constant 0 : i32
          %dma_wait3A_567 = tpu.memref_slice %arg7[%dma_wait3A_566] : memref<10240xf32, #tpu.memory_space<vmem_shared>> -> memref<10240xf32, #tpu.memory_space<vmem_shared>>
          tpu.wait_indirect_dma semaphore(%run_scoped3A : memref<!tpu.dma_semaphore, #tpu.memory_space<semaphore_mem>>) src(%arg15 : memref<64xf32, #tpu.memory_space<vmem>>) dst(%dma_wait3A_567 : memref<10240xf32, #tpu.memory_space<vmem_shared>>)
          tpu.yield
        }) : () -> ()
        %mul3A_433 = arith.constant 2 : i32
        %mul3A_434 = arith.muli %mul3A_433, %add3A_299 : i32
        %add3A_435 = arith.constant 2 : i32
        %add3A_436 = arith.addi %mul3A_434, %add3A_435 : i32
        %add3A_437 = arith.constant 1 : i32
        %add3A_438 = arith.addi %add3A_436, %add3A_437 : i32
        %jit3A_439 = arith.constant 2 : i32
        %div3A_440 = arith.divsi %add3A_438, %jit3A_439 : i32
        %sign3A_441 = arith.constant 0 : i32
        %sign3A_442 = arith.cmpi sgt, %add3A_438, %sign3A_441 : i32
        %sign3A_443 = arith.extui %sign3A_442 : i1 to i32
        %sign3A_444 = arith.constant 0 : i32
        %sign3A_445 = arith.cmpi slt, %add3A_438, %sign3A_444 : i32
        %sign3A_446 = arith.extui %sign3A_445 : i1 to i32
        %sign3A_447 = arith.subi %sign3A_443, %sign3A_446 : i32
        %sign3A_448 = arith.constant 0 : i32
        %sign3A_449 = arith.cmpi sgt, %jit3A_439, %sign3A_448 : i32
        %sign3A_450 = arith.extui %sign3A_449 : i1 to i32
        %sign3A_451 = arith.constant 0 : i32
        %sign3A_452 = arith.cmpi slt, %jit3A_439, %sign3A_451 : i32
        %sign3A_453 = arith.extui %sign3A_452 : i1 to i32
        %sign3A_454 = arith.subi %sign3A_450, %sign3A_453 : i32
        %ne3A_455 = arith.cmpi ne, %sign3A_447, %sign3A_454 : i32
        %rem3A_456 = arith.remsi %add3A_438, %jit3A_439 : i32
        %ne3A_457 = arith.constant 0 : i32
        %ne3A_458 = arith.cmpi ne, %rem3A_456, %ne3A_457 : i32
        %and3A_459 = arith.andi %ne3A_455, %ne3A_458 : i1
        %sub3A_460 = arith.constant 1 : i32
        %sub3A_461 = arith.subi %div3A_440, %sub3A_460 : i32
        %select_n3A_462 = arith.select %and3A_459, %sub3A_461, %div3A_440 : i32
        %jit3A_463 = arith.constant 2 : i32
        %eq3A_464 = arith.constant 0 : i32
        %eq3A_465 = arith.cmpi eq, %jit3A_463, %eq3A_464 : i32
        %jit3A_466 = arith.constant 1 : i32
        %select_n3A_467 = arith.select %eq3A_465, %jit3A_466, %jit3A_463 : i32
        %rem3A_468 = arith.remsi %add3A_438, %select_n3A_467 : i32
        %ne3A_469 = arith.constant 0 : i32
        %ne3A_470 = arith.cmpi ne, %rem3A_468, %ne3A_469 : i32
        %lt3A_471 = arith.constant 0 : i32
        %lt3A_472 = arith.cmpi slt, %rem3A_468, %lt3A_471 : i32
        %lt3A_473 = arith.constant 0 : i32
        %lt3A_474 = arith.cmpi slt, %select_n3A_467, %lt3A_473 : i32
        %ne3A_475 = arith.xori %lt3A_472, %lt3A_474 : i1
        %and3A_476 = arith.andi %ne3A_475, %ne3A_470 : i1
        %add3A_477 = arith.addi %rem3A_468, %select_n3A_467 : i32
        %select_n3A_478 = arith.select %and3A_476, %add3A_477, %rem3A_468 : i32
        %mul3A_479 = arith.constant 64 : i32
        %mul3A_480 = arith.muli %select_n3A_478, %mul3A_479 : i32
        %add3A_481 = arith.constant 0 : i32
        %add3A_482 = arith.addi %mul3A_480, %add3A_481 : i32
        %get3A_483 = arith.index_cast %select_n3A_462 : i32 to index
        %get3A_484 = arith.index_cast %add3A_482 : i32 to index
        %get3A_485 = tpu.vector_load %arg8[%get3A_483, %get3A_484] {strides = array<i32>} : memref<16x128xi32, #tpu.memory_space<vmem>>, vector<1x16xi32>,
        %get3A_486 = vector.shape_cast %get3A_485 : vector<1x16xi32> to vector<16xi32>
        %and3A_487 = arith.constant 65535 : i32
        %and3A_488 = vector.broadcast %and3A_487 : i32 to vector<16xi32>
        %and3A_489 = arith.andi %get3A_486, %and3A_488 : vector<16xi32>
        %swap3A_490 = arith.constant 0 : index
        %swap3A_491 = tpu.vector_load %arg12[%swap3A_490] {strides = array<i32>} : memref<64xi32, #tpu.memory_space<vmem>>, vector<16xi32>,
        %swap3A_492 = vector.shape_cast %swap3A_491 : vector<16xi32> to vector<16xi32>
        %swap3A_493 = vector.shape_cast %and3A_489 : vector<16xi32> to vector<16xi32>
        tpu.vector_store %arg12[%swap3A_490], %swap3A_493 {strides = array<i32>} : memref<64xi32, #tpu.memory_space<vmem>>, vector<16xi32>,
        %shift_right_arithmetic3A_494 = arith.constant 16 : i32
        %shift_right_arithmetic3A_495 = vector.broadcast %shift_right_arithmetic3A_494 : i32 to vector<16xi32>
        %shift_right_arithmetic3A_496 = arith.shrsi %get3A_486, %shift_right_arithmetic3A_495 : vector<16xi32>
        %swap3A_497 = arith.constant 0 : index
        %swap3A_498 = tpu.vector_load %arg14[%swap3A_497] {strides = array<i32>} : memref<64xi32, #tpu.memory_space<vmem>>, vector<16xi32>,
        %swap3A_499 = vector.shape_cast %swap3A_498 : vector<16xi32> to vector<16xi32>
        %swap3A_500 = vector.shape_cast %shift_right_arithmetic3A_496 : vector<16xi32> to vector<16xi32>
        tpu.vector_store %arg14[%swap3A_497], %swap3A_500 {strides = array<i32>} : memref<64xi32, #tpu.memory_space<vmem>>, vector<16xi32>,
        %add3A_501 = arith.constant 16 : i32
        %add3A_502 = arith.addi %mul3A_480, %add3A_501 : i32
        %get3A_503 = arith.index_cast %select_n3A_462 : i32 to index
        %get3A_504 = arith.index_cast %add3A_502 : i32 to index
        %get3A_505 = tpu.vector_load %arg8[%get3A_503, %get3A_504] {strides = array<i32>} : memref<16x128xi32, #tpu.memory_space<vmem>>, vector<1x16xi32>,
        %get3A_506 = vector.shape_cast %get3A_505 : vector<1x16xi32> to vector<16xi32>
        %and3A_507 = arith.constant 65535 : i32
        %and3A_508 = vector.broadcast %and3A_507 : i32 to vector<16xi32>
        %and3A_509 = arith.andi %get3A_506, %and3A_508 : vector<16xi32>
        %swap3A_510 = arith.constant 16 : index
        %swap3A_511 = tpu.vector_load %arg12[%swap3A_510] {strides = array<i32>} : memref<64xi32, #tpu.memory_space<vmem>>, vector<16xi32>,
        %swap3A_512 = vector.shape_cast %swap3A_511 : vector<16xi32> to vector<16xi32>
        %swap3A_513 = vector.shape_cast %and3A_509 : vector<16xi32> to vector<16xi32>
        tpu.vector_store %arg12[%swap3A_510], %swap3A_513 {strides = array<i32>} : memref<64xi32, #tpu.memory_space<vmem>>, vector<16xi32>,
        %shift_right_arithmetic3A_514 = arith.constant 16 : i32
        %shift_right_arithmetic3A_515 = vector.broadcast %shift_right_arithmetic3A_514 : i32 to vector<16xi32>
        %shift_right_arithmetic3A_516 = arith.shrsi %get3A_506, %shift_right_arithmetic3A_515 : vector<16xi32>
        %swap3A_517 = arith.constant 16 : index
        %swap3A_518 = tpu.vector_load %arg14[%swap3A_517] {strides = array<i32>} : memref<64xi32, #tpu.memory_space<vmem>>, vector<16xi32>,
        %swap3A_519 = vector.shape_cast %swap3A_518 : vector<16xi32> to vector<16xi32>
        %swap3A_520 = vector.shape_cast %shift_right_arithmetic3A_516 : vector<16xi32> to vector<16xi32>
        tpu.vector_store %arg14[%swap3A_517], %swap3A_520 {strides = array<i32>} : memref<64xi32, #tpu.memory_space<vmem>>, vector<16xi32>,
        %add3A_521 = arith.constant 32 : i32
        %add3A_522 = arith.addi %mul3A_480, %add3A_521 : i32
        %get3A_523 = arith.index_cast %select_n3A_462 : i32 to index
        %get3A_524 = arith.index_cast %add3A_522 : i32 to index
        %get3A_525 = tpu.vector_load %arg8[%get3A_523, %get3A_524] {strides = array<i32>} : memref<16x128xi32, #tpu.memory_space<vmem>>, vector<1x16xi32>,
        %get3A_526 = vector.shape_cast %get3A_525 : vector<1x16xi32> to vector<16xi32>
        %and3A_527 = arith.constant 65535 : i32
        %and3A_528 = vector.broadcast %and3A_527 : i32 to vector<16xi32>
        %and3A_529 = arith.andi %get3A_526, %and3A_528 : vector<16xi32>
        %swap3A_530 = arith.constant 32 : index
        %swap3A_531 = tpu.vector_load %arg12[%swap3A_530] {strides = array<i32>} : memref<64xi32, #tpu.memory_space<vmem>>, vector<16xi32>,
        %swap3A_532 = vector.shape_cast %swap3A_531 : vector<16xi32> to vector<16xi32>
        %swap3A_533 = vector.shape_cast %and3A_529 : vector<16xi32> to vector<16xi32>
        tpu.vector_store %arg12[%swap3A_530], %swap3A_533 {strides = array<i32>} : memref<64xi32, #tpu.memory_space<vmem>>, vector<16xi32>,
        %shift_right_arithmetic3A_534 = arith.constant 16 : i32
        %shift_right_arithmetic3A_535 = vector.broadcast %shift_right_arithmetic3A_534 : i32 to vector<16xi32>
        %shift_right_arithmetic3A_536 = arith.shrsi %get3A_526, %shift_right_arithmetic3A_535 : vector<16xi32>
        %swap3A_537 = arith.constant 32 : index
        %swap3A_538 = tpu.vector_load %arg14[%swap3A_537] {strides = array<i32>} : memref<64xi32, #tpu.memory_space<vmem>>, vector<16xi32>,
        %swap3A_539 = vector.shape_cast %swap3A_538 : vector<16xi32> to vector<16xi32>
        %swap3A_540 = vector.shape_cast %shift_right_arithmetic3A_536 : vector<16xi32> to vector<16xi32>
        tpu.vector_store %arg14[%swap3A_537], %swap3A_540 {strides = array<i32>} : memref<64xi32, #tpu.memory_space<vmem>>, vector<16xi32>,
        %add3A_541 = arith.constant 48 : i32
        %add3A_542 = arith.addi %mul3A_480, %add3A_541 : i32
        %get3A_543 = arith.index_cast %select_n3A_462 : i32 to index
        %get3A_544 = arith.index_cast %add3A_542 : i32 to index
        %get3A_545 = tpu.vector_load %arg8[%get3A_543, %get3A_544] {strides = array<i32>} : memref<16x128xi32, #tpu.memory_space<vmem>>, vector<1x16xi32>,
        %get3A_546 = vector.shape_cast %get3A_545 : vector<1x16xi32> to vector<16xi32>
        %and3A_547 = arith.constant 65535 : i32
        %and3A_548 = vector.broadcast %and3A_547 : i32 to vector<16xi32>
        %and3A_549 = arith.andi %get3A_546, %and3A_548 : vector<16xi32>
        %swap3A_550 = arith.constant 48 : index
        %swap3A_551 = tpu.vector_load %arg12[%swap3A_550] {strides = array<i32>} : memref<64xi32, #tpu.memory_space<vmem>>, vector<16xi32>,
        %swap3A_552 = vector.shape_cast %swap3A_551 : vector<16xi32> to vector<16xi32>
        %swap3A_553 = vector.shape_cast %and3A_549 : vector<16xi32> to vector<16xi32>
        tpu.vector_store %arg12[%swap3A_550], %swap3A_553 {strides = array<i32>} : memref<64xi32, #tpu.memory_space<vmem>>, vector<16xi32>,
        %shift_right_arithmetic3A_554 = arith.constant 16 : i32
        %shift_right_arithmetic3A_555 = vector.broadcast %shift_right_arithmetic3A_554 : i32 to vector<16xi32>
        %shift_right_arithmetic3A_556 = arith.shrsi %get3A_546, %shift_right_arithmetic3A_555 : vector<16xi32>
        %swap3A_557 = arith.constant 48 : index
        %swap3A_558 = tpu.vector_load %arg14[%swap3A_557] {strides = array<i32>} : memref<64xi32, #tpu.memory_space<vmem>>, vector<16xi32>,
        %swap3A_559 = vector.shape_cast %swap3A_558 : vector<16xi32> to vector<16xi32>
        %swap3A_560 = vector.shape_cast %shift_right_arithmetic3A_556 : vector<16xi32> to vector<16xi32>
        tpu.vector_store %arg14[%swap3A_557], %swap3A_560 {strides = array<i32>} : memref<64xi32, #tpu.memory_space<vmem>>, vector<16xi32>,
        %dma_start3A_561 = arith.constant 0 : i32
        %dma_start3A_562 = arith.constant 0 : i32
        %dma_start3A_563 = tpu.memref_slice %arg2[%dma_start3A_561, %dma_start3A_562] : memref<10000x128xf32, #tpu.memory_space<hbm>> -> memref<10000x128xf32, #tpu.memory_space<hbm>>
        tpu.enqueue_indirect_dma source(%dma_start3A_563 : memref<10000x128xf32, #tpu.memory_space<hbm>>) target(%arg10 : memref<64x128xf32, #tpu.memory_space<vmem>>) offsets(%arg12 : memref<64xi32, #tpu.memory_space<vmem>>) semaphore(%arg18 : memref<!tpu.dma_semaphore, #tpu.memory_space<semaphore_mem>>)
      }
      %scan3A_289 = arith.constant 15 : i32
      %dma_wait3A = arith.constant 0 : i32
      %dma_wait3A_290 = arith.constant 0 : i32
      %dma_wait3A_291 = tpu.memref_slice %arg2[%dma_wait3A, %dma_wait3A_290] : memref<10000x128xf32, #tpu.memory_space<hbm>> -> memref<10000x128xf32, #tpu.memory_space<hbm>>
      tpu.wait_indirect_dma semaphore(%arg17 : memref<!tpu.dma_semaphore, #tpu.memory_space<semaphore_mem>>) src(%dma_wait3A_291 : memref<10000x128xf32, #tpu.memory_space<hbm>>) dst(%arg9 : memref<64x128xf32, #tpu.memory_space<vmem>>)
      "tpu.region"() ({
        %run_scoped3A = tpu.sem_alloc : memref<!tpu.dma_semaphore, #tpu.memory_space<semaphore_mem>>
        %dma_start3A_295 = arith.constant 0 : i32
        %dma_start3A_296 = arith.constant 0 : i32
        %dma_start3A_297 = tpu.memref_slice %arg6[%dma_start3A_295, %dma_start3A_296] : memref<10112x128xf32, #tpu.memory_space<vmem_shared>> -> memref<10112x128xf32, #tpu.memory_space<vmem_shared>>
        tpu.enqueue_indirect_dma source(%arg9 : memref<64x128xf32, #tpu.memory_space<vmem>>) target(%dma_start3A_297 : memref<10112x128xf32, #tpu.memory_space<vmem_shared>>) offsets(%arg13 : memref<64xi32, #tpu.memory_space<vmem>>) semaphore(%run_scoped3A : memref<!tpu.dma_semaphore, #tpu.memory_space<semaphore_mem>>) {add = true}
        %dma_wait3A_298 = arith.constant 0 : i32
        %dma_wait3A_299 = arith.constant 0 : i32
        %dma_wait3A_300 = tpu.memref_slice %arg6[%dma_wait3A_298, %dma_wait3A_299] : memref<10112x128xf32, #tpu.memory_space<vmem_shared>> -> memref<10112x128xf32, #tpu.memory_space<vmem_shared>>
        tpu.wait_indirect_dma semaphore(%run_scoped3A : memref<!tpu.dma_semaphore, #tpu.memory_space<semaphore_mem>>) src(%arg9 : memref<64x128xf32, #tpu.memory_space<vmem>>) dst(%dma_wait3A_300 : memref<10112x128xf32, #tpu.memory_space<vmem_shared>>)
        tpu.yield
      }) : () -> ()
      "tpu.region"() ({
        %run_scoped3A = tpu.sem_alloc : memref<!tpu.dma_semaphore, #tpu.memory_space<semaphore_mem>>
        %dma_start3A_295 = arith.constant 0 : i32
        %dma_start3A_296 = tpu.memref_slice %arg7[%dma_start3A_295] : memref<10240xf32, #tpu.memory_space<vmem_shared>> -> memref<10240xf32, #tpu.memory_space<vmem_shared>>
        tpu.enqueue_indirect_dma source(%arg15 : memref<64xf32, #tpu.memory_space<vmem>>) target(%dma_start3A_296 : memref<10240xf32, #tpu.memory_space<vmem_shared>>) offsets(%arg13 : memref<64xi32, #tpu.memory_space<vmem>>) semaphore(%run_scoped3A : memref<!tpu.dma_semaphore, #tpu.memory_space<semaphore_mem>>) {add = true}
        %dma_wait3A_297 = arith.constant 0 : i32
        %dma_wait3A_298 = tpu.memref_slice %arg7[%dma_wait3A_297] : memref<10240xf32, #tpu.memory_space<vmem_shared>> -> memref<10240xf32, #tpu.memory_space<vmem_shared>>
        tpu.wait_indirect_dma semaphore(%run_scoped3A : memref<!tpu.dma_semaphore, #tpu.memory_space<semaphore_mem>>) src(%arg15 : memref<64xf32, #tpu.memory_space<vmem>>) dst(%dma_wait3A_298 : memref<10240xf32, #tpu.memory_space<vmem_shared>>)
        tpu.yield
      }) : () -> ()
      %dma_wait3A_292 = arith.constant 0 : i32
      %dma_wait3A_293 = arith.constant 0 : i32
      %dma_wait3A_294 = tpu.memref_slice %arg2[%dma_wait3A_292, %dma_wait3A_293] : memref<10000x128xf32, #tpu.memory_space<hbm>> -> memref<10000x128xf32, #tpu.memory_space<hbm>>
      tpu.wait_indirect_dma semaphore(%arg18 : memref<!tpu.dma_semaphore, #tpu.memory_space<semaphore_mem>>) src(%dma_wait3A_294 : memref<10000x128xf32, #tpu.memory_space<hbm>>) dst(%arg10 : memref<64x128xf32, #tpu.memory_space<vmem>>)
      "tpu.region"() ({
        %run_scoped3A = tpu.sem_alloc : memref<!tpu.dma_semaphore, #tpu.memory_space<semaphore_mem>>
        %dma_start3A_295 = arith.constant 0 : i32
        %dma_start3A_296 = arith.constant 0 : i32
        %dma_start3A_297 = tpu.memref_slice %arg6[%dma_start3A_295, %dma_start3A_296] : memref<10112x128xf32, #tpu.memory_space<vmem_shared>> -> memref<10112x128xf32, #tpu.memory_space<vmem_shared>>
        tpu.enqueue_indirect_dma source(%arg10 : memref<64x128xf32, #tpu.memory_space<vmem>>) target(%dma_start3A_297 : memref<10112x128xf32, #tpu.memory_space<vmem_shared>>) offsets(%arg14 : memref<64xi32, #tpu.memory_space<vmem>>) semaphore(%run_scoped3A : memref<!tpu.dma_semaphore, #tpu.memory_space<semaphore_mem>>) {add = true}
        %dma_wait3A_298 = arith.constant 0 : i32
        %dma_wait3A_299 = arith.constant 0 : i32
        %dma_wait3A_300 = tpu.memref_slice %arg6[%dma_wait3A_298, %dma_wait3A_299] : memref<10112x128xf32, #tpu.memory_space<vmem_shared>> -> memref<10112x128xf32, #tpu.memory_space<vmem_shared>>
        tpu.wait_indirect_dma semaphore(%run_scoped3A : memref<!tpu.dma_semaphore, #tpu.memory_space<semaphore_mem>>) src(%arg10 : memref<64x128xf32, #tpu.memory_space<vmem>>) dst(%dma_wait3A_300 : memref<10112x128xf32, #tpu.memory_space<vmem_shared>>)
        tpu.yield
      }) : () -> ()
      "tpu.region"() ({
        %run_scoped3A = tpu.sem_alloc : memref<!tpu.dma_semaphore, #tpu.memory_space<semaphore_mem>>
        %dma_start3A_295 = arith.constant 0 : i32
        %dma_start3A_296 = tpu.memref_slice %arg7[%dma_start3A_295] : memref<10240xf32, #tpu.memory_space<vmem_shared>> -> memref<10240xf32, #tpu.memory_space<vmem_shared>>
        tpu.enqueue_indirect_dma source(%arg15 : memref<64xf32, #tpu.memory_space<vmem>>) target(%dma_start3A_296 : memref<10240xf32, #tpu.memory_space<vmem_shared>>) offsets(%arg14 : memref<64xi32, #tpu.memory_space<vmem>>) semaphore(%run_scoped3A : memref<!tpu.dma_semaphore, #tpu.memory_space<semaphore_mem>>) {add = true}
        %dma_wait3A_297 = arith.constant 0 : i32
        %dma_wait3A_298 = tpu.memref_slice %arg7[%dma_wait3A_297] : memref<10240xf32, #tpu.memory_space<vmem_shared>> -> memref<10240xf32, #tpu.memory_space<vmem_shared>>
        tpu.wait_indirect_dma semaphore(%run_scoped3A : memref<!tpu.dma_semaphore, #tpu.memory_space<semaphore_mem>>) src(%arg15 : memref<64xf32, #tpu.memory_space<vmem>>) dst(%dma_wait3A_298 : memref<10240xf32, #tpu.memory_space<vmem_shared>>)
        tpu.yield
      }) : () -> ()
    }
    %while3A_77 = arith.constant 1 : i32
    scf.for %while3A_127 = %while3A_75 to %while3A_71 step %while3A_77  : i32 {
      %mul3A_128 = arith.muli %while3A_127, %while3A : i32
      %add3A_129 = arith.addi %while3A_68, %mul3A_128 : i32
      %add3A_130 = arith.addi %select_n3A_60, %add3A_129 : i32
      "tpu.region"() ({
        %run_scoped3A = tpu.sem_alloc : memref<!tpu.dma_semaphore, #tpu.memory_space<semaphore_mem>>
        %dma_start3A_295 = arith.constant 0 : i32
        %dma_start3A_296 = arith.constant 0 : i32
        %dma_start3A_297 = tpu.memref_slice %arg3[%add3A_130, %dma_start3A_295, %dma_start3A_296] : memref<160x16x128xi32, #tpu.memory_space<hbm>> -> memref<1x16x128xi32, #tpu.memory_space<hbm>>
        %dma_start3A_298 = tpu.memref_squeeze %dma_start3A_297 : memref<1x16x128xi32, #tpu.memory_space<hbm>> -> memref<16x128xi32, #tpu.memory_space<hbm>>
        %dma_start3A_299 = arith.constant 0 : i32
        %dma_start3A_300 = arith.constant 0 : i32
        %dma_start3A_301 = tpu.memref_slice %arg3[%add3A_130, %dma_start3A_299, %dma_start3A_300] : memref<160x16x128xi32, #tpu.memory_space<hbm>> -> memref<1x16x128xi32, #tpu.memory_space<hbm>>
        %dma_start3A_302 = tpu.memref_squeeze %dma_start3A_301 : memref<1x16x128xi32, #tpu.memory_space<hbm>> -> memref<16x128xi32, #tpu.memory_space<hbm>>
        tpu.enqueue_dma source(%dma_start3A_302 : memref<16x128xi32, #tpu.memory_space<hbm>>) target(%arg8 : memref<16x128xi32, #tpu.memory_space<vmem>>) target_semaphore(%run_scoped3A : memref<!tpu.dma_semaphore, #tpu.memory_space<semaphore_mem>>)
        %dma_wait3A_303 = arith.constant 0 : i32
        %dma_wait3A_304 = arith.constant 0 : i32
        %dma_wait3A_305 = tpu.memref_slice %arg3[%add3A_130, %dma_wait3A_303, %dma_wait3A_304] : memref<160x16x128xi32, #tpu.memory_space<hbm>> -> memref<1x16x128xi32, #tpu.memory_space<hbm>>
        %dma_wait3A_306 = tpu.memref_squeeze %dma_wait3A_305 : memref<1x16x128xi32, #tpu.memory_space<hbm>> -> memref<16x128xi32, #tpu.memory_space<hbm>>
        %dma_wait3A_307 = arith.constant 0 : i32
        %dma_wait3A_308 = arith.constant 0 : i32
        %dma_wait3A_309 = tpu.memref_slice %arg3[%add3A_130, %dma_wait3A_307, %dma_wait3A_308] : memref<160x16x128xi32, #tpu.memory_space<hbm>> -> memref<1x16x128xi32, #tpu.memory_space<hbm>>
        %dma_wait3A_310 = tpu.memref_squeeze %dma_wait3A_309 : memref<1x16x128xi32, #tpu.memory_space<hbm>> -> memref<16x128xi32, #tpu.memory_space<hbm>>
        tpu.wait_dma2 semaphore(%run_scoped3A : memref<!tpu.dma_semaphore, #tpu.memory_space<semaphore_mem>>) src(%dma_wait3A_310 : memref<16x128xi32, #tpu.memory_space<hbm>>) dst(%arg8 : memref<16x128xi32, #tpu.memory_space<vmem>>)
        tpu.yield
      }) : () -> ()
      %get3A = arith.constant 0 : i32
      %get3A_131 = arith.index_cast %get3A : i32 to index
      %get3A_132 = arith.constant 0 : index
      %get3A_133 = tpu.vector_load %arg8[%get3A_131, %get3A_132] {strides = array<i32>} : memref<16x128xi32, #tpu.memory_space<vmem>>, vector<1x16xi32>,
      %get3A_134 = vector.shape_cast %get3A_133 : vector<1x16xi32> to vector<16xi32>
      %and3A = arith.constant 65535 : i32
      %and3A_135 = vector.broadcast %and3A : i32 to vector<16xi32>
      %and3A_136 = arith.andi %get3A_134, %and3A_135 : vector<16xi32>
      %swap3A_137 = arith.constant 0 : index
      %swap3A_138 = tpu.vector_load %arg11[%swap3A_137] {strides = array<i32>} : memref<64xi32, #tpu.memory_space<vmem>>, vector<16xi32>,
      %swap3A_139 = vector.shape_cast %swap3A_138 : vector<16xi32> to vector<16xi32>
      %swap3A_140 = vector.shape_cast %and3A_136 : vector<16xi32> to vector<16xi32>
      tpu.vector_store %arg11[%swap3A_137], %swap3A_140 {strides = array<i32>} : memref<64xi32, #tpu.memory_space<vmem>>, vector<16xi32>,
      %shift_right_arithmetic3A = arith.constant 16 : i32
      %shift_right_arithmetic3A_141 = vector.broadcast %shift_right_arithmetic3A : i32 to vector<16xi32>
      %shift_right_arithmetic3A_142 = arith.shrsi %get3A_134, %shift_right_arithmetic3A_141 : vector<16xi32>
      %swap3A_143 = arith.constant 0 : index
      %swap3A_144 = tpu.vector_load %arg13[%swap3A_143] {strides = array<i32>} : memref<64xi32, #tpu.memory_space<vmem>>, vector<16xi32>,
      %swap3A_145 = vector.shape_cast %swap3A_144 : vector<16xi32> to vector<16xi32>
      %swap3A_146 = vector.shape_cast %shift_right_arithmetic3A_142 : vector<16xi32> to vector<16xi32>
      tpu.vector_store %arg13[%swap3A_143], %swap3A_146 {strides = array<i32>} : memref<64xi32, #tpu.memory_space<vmem>>, vector<16xi32>,
      %get3A_147 = arith.constant 0 : i32
      %get3A_148 = arith.index_cast %get3A_147 : i32 to index
      %get3A_149 = arith.constant 16 : index
      %get3A_150 = tpu.vector_load %arg8[%get3A_148, %get3A_149] {strides = array<i32>} : memref<16x128xi32, #tpu.memory_space<vmem>>, vector<1x16xi32>,
      %get3A_151 = vector.shape_cast %get3A_150 : vector<1x16xi32> to vector<16xi32>
      %and3A_152 = arith.constant 65535 : i32
      %and3A_153 = vector.broadcast %and3A_152 : i32 to vector<16xi32>
      %and3A_154 = arith.andi %get3A_151, %and3A_153 : vector<16xi32>
      %swap3A_155 = arith.constant 16 : index
      %swap3A_156 = tpu.vector_load %arg11[%swap3A_155] {strides = array<i32>} : memref<64xi32, #tpu.memory_space<vmem>>, vector<16xi32>,
      %swap3A_157 = vector.shape_cast %swap3A_156 : vector<16xi32> to vector<16xi32>
      %swap3A_158 = vector.shape_cast %and3A_154 : vector<16xi32> to vector<16xi32>
      tpu.vector_store %arg11[%swap3A_155], %swap3A_158 {strides = array<i32>} : memref<64xi32, #tpu.memory_space<vmem>>, vector<16xi32>,
      %shift_right_arithmetic3A_159 = arith.constant 16 : i32
      %shift_right_arithmetic3A_160 = vector.broadcast %shift_right_arithmetic3A_159 : i32 to vector<16xi32>
      %shift_right_arithmetic3A_161 = arith.shrsi %get3A_151, %shift_right_arithmetic3A_160 : vector<16xi32>
      %swap3A_162 = arith.constant 16 : index
      %swap3A_163 = tpu.vector_load %arg13[%swap3A_162] {strides = array<i32>} : memref<64xi32, #tpu.memory_space<vmem>>, vector<16xi32>,
      %swap3A_164 = vector.shape_cast %swap3A_163 : vector<16xi32> to vector<16xi32>
      %swap3A_165 = vector.shape_cast %shift_right_arithmetic3A_161 : vector<16xi32> to vector<16xi32>
      tpu.vector_store %arg13[%swap3A_162], %swap3A_165 {strides = array<i32>} : memref<64xi32, #tpu.memory_space<vmem>>, vector<16xi32>,
      %get3A_166 = arith.constant 0 : i32
      %get3A_167 = arith.index_cast %get3A_166 : i32 to index
      %get3A_168 = arith.constant 32 : index
      %get3A_169 = tpu.vector_load %arg8[%get3A_167, %get3A_168] {strides = array<i32>} : memref<16x128xi32, #tpu.memory_space<vmem>>, vector<1x16xi32>,
      %get3A_170 = vector.shape_cast %get3A_169 : vector<1x16xi32> to vector<16xi32>
      %and3A_171 = arith.constant 65535 : i32
      %and3A_172 = vector.broadcast %and3A_171 : i32 to vector<16xi32>
      %and3A_173 = arith.andi %get3A_170, %and3A_172 : vector<16xi32>
      %swap3A_174 = arith.constant 32 : index
      %swap3A_175 = tpu.vector_load %arg11[%swap3A_174] {strides = array<i32>} : memref<64xi32, #tpu.memory_space<vmem>>, vector<16xi32>,
      %swap3A_176 = vector.shape_cast %swap3A_175 : vector<16xi32> to vector<16xi32>
      %swap3A_177 = vector.shape_cast %and3A_173 : vector<16xi32> to vector<16xi32>
      tpu.vector_store %arg11[%swap3A_174], %swap3A_177 {strides = array<i32>} : memref<64xi32, #tpu.memory_space<vmem>>, vector<16xi32>,
      %shift_right_arithmetic3A_178 = arith.constant 16 : i32
      %shift_right_arithmetic3A_179 = vector.broadcast %shift_right_arithmetic3A_178 : i32 to vector<16xi32>
      %shift_right_arithmetic3A_180 = arith.shrsi %get3A_170, %shift_right_arithmetic3A_179 : vector<16xi32>
      %swap3A_181 = arith.constant 32 : index
      %swap3A_182 = tpu.vector_load %arg13[%swap3A_181] {strides = array<i32>} : memref<64xi32, #tpu.memory_space<vmem>>, vector<16xi32>,
      %swap3A_183 = vector.shape_cast %swap3A_182 : vector<16xi32> to vector<16xi32>
      %swap3A_184 = vector.shape_cast %shift_right_arithmetic3A_180 : vector<16xi32> to vector<16xi32>
      tpu.vector_store %arg13[%swap3A_181], %swap3A_184 {strides = array<i32>} : memref<64xi32, #tpu.memory_space<vmem>>, vector<16xi32>,
      %get3A_185 = arith.constant 0 : i32
      %get3A_186 = arith.index_cast %get3A_185 : i32 to index
      %get3A_187 = arith.constant 48 : index
      %get3A_188 = tpu.vector_load %arg8[%get3A_186, %get3A_187] {strides = array<i32>} : memref<16x128xi32, #tpu.memory_space<vmem>>, vector<1x16xi32>,
      %get3A_189 = vector.shape_cast %get3A_188 : vector<1x16xi32> to vector<16xi32>
      %and3A_190 = arith.constant 65535 : i32
      %and3A_191 = vector.broadcast %and3A_190 : i32 to vector<16xi32>
      %and3A_192 = arith.andi %get3A_189, %and3A_191 : vector<16xi32>
      %swap3A_193 = arith.constant 48 : index
      %swap3A_194 = tpu.vector_load %arg11[%swap3A_193] {strides = array<i32>} : memref<64xi32, #tpu.memory_space<vmem>>, vector<16xi32>,
      %swap3A_195 = vector.shape_cast %swap3A_194 : vector<16xi32> to vector<16xi32>
      %swap3A_196 = vector.shape_cast %and3A_192 : vector<16xi32> to vector<16xi32>
      tpu.vector_store %arg11[%swap3A_193], %swap3A_196 {strides = array<i32>} : memref<64xi32, #tpu.memory_space<vmem>>, vector<16xi32>,
      %shift_right_arithmetic3A_197 = arith.constant 16 : i32
      %shift_right_arithmetic3A_198 = vector.broadcast %shift_right_arithmetic3A_197 : i32 to vector<16xi32>
      %shift_right_arithmetic3A_199 = arith.shrsi %get3A_189, %shift_right_arithmetic3A_198 : vector<16xi32>
      %swap3A_200 = arith.constant 48 : index
      %swap3A_201 = tpu.vector_load %arg13[%swap3A_200] {strides = array<i32>} : memref<64xi32, #tpu.memory_space<vmem>>, vector<16xi32>,
      %swap3A_202 = vector.shape_cast %swap3A_201 : vector<16xi32> to vector<16xi32>
      %swap3A_203 = vector.shape_cast %shift_right_arithmetic3A_199 : vector<16xi32> to vector<16xi32>
      tpu.vector_store %arg13[%swap3A_200], %swap3A_203 {strides = array<i32>} : memref<64xi32, #tpu.memory_space<vmem>>, vector<16xi32>,
      %dma_start3A = arith.constant 0 : i32
      %dma_start3A_204 = arith.constant 0 : i32
      %dma_start3A_205 = tpu.memref_slice %arg2[%dma_start3A, %dma_start3A_204] : memref<10000x128xf32, #tpu.memory_space<hbm>> -> memref<10000x128xf32, #tpu.memory_space<hbm>>
      tpu.enqueue_indirect_dma source(%dma_start3A_205 : memref<10000x128xf32, #tpu.memory_space<hbm>>) target(%arg9 : memref<64x128xf32, #tpu.memory_space<vmem>>) offsets(%arg11 : memref<64xi32, #tpu.memory_space<vmem>>) semaphore(%arg17 : memref<!tpu.dma_semaphore, #tpu.memory_space<semaphore_mem>>)
      %get3A_206 = arith.constant 0 : i32
      %get3A_207 = arith.index_cast %get3A_206 : i32 to index
      %get3A_208 = arith.constant 64 : index
      %get3A_209 = tpu.vector_load %arg8[%get3A_207, %get3A_208] {strides = array<i32>} : memref<16x128xi32, #tpu.memory_space<vmem>>, vector<1x16xi32>,
      %get3A_210 = vector.shape_cast %get3A_209 : vector<1x16xi32> to vector<16xi32>
      %and3A_211 = arith.constant 65535 : i32
      %and3A_212 = vector.broadcast %and3A_211 : i32 to vector<16xi32>
      %and3A_213 = arith.andi %get3A_210, %and3A_212 : vector<16xi32>
      %swap3A_214 = arith.constant 0 : index
      %swap3A_215 = tpu.vector_load %arg12[%swap3A_214] {strides = array<i32>} : memref<64xi32, #tpu.memory_space<vmem>>, vector<16xi32>,
      %swap3A_216 = vector.shape_cast %swap3A_215 : vector<16xi32> to vector<16xi32>
      %swap3A_217 = vector.shape_cast %and3A_213 : vector<16xi32> to vector<16xi32>
      tpu.vector_store %arg12[%swap3A_214], %swap3A_217 {strides = array<i32>} : memref<64xi32, #tpu.memory_space<vmem>>, vector<16xi32>,
      %shift_right_arithmetic3A_218 = arith.constant 16 : i32
      %shift_right_arithmetic3A_219 = vector.broadcast %shift_right_arithmetic3A_218 : i32 to vector<16xi32>
      %shift_right_arithmetic3A_220 = arith.shrsi %get3A_210, %shift_right_arithmetic3A_219 : vector<16xi32>
      %swap3A_221 = arith.constant 0 : index
      %swap3A_222 = tpu.vector_load %arg14[%swap3A_221] {strides = array<i32>} : memref<64xi32, #tpu.memory_space<vmem>>, vector<16xi32>,
      %swap3A_223 = vector.shape_cast %swap3A_222 : vector<16xi32> to vector<16xi32>
      %swap3A_224 = vector.shape_cast %shift_right_arithmetic3A_220 : vector<16xi32> to vector<16xi32>
      tpu.vector_store %arg14[%swap3A_221], %swap3A_224 {strides = array<i32>} : memref<64xi32, #tpu.memory_space<vmem>>, vector<16xi32>,
      %get3A_225 = arith.constant 0 : i32
      %get3A_226 = arith.index_cast %get3A_225 : i32 to index
      %get3A_227 = arith.constant 80 : index
      %get3A_228 = tpu.vector_load %arg8[%get3A_226, %get3A_227] {strides = array<i32>} : memref<16x128xi32, #tpu.memory_space<vmem>>, vector<1x16xi32>,
      %get3A_229 = vector.shape_cast %get3A_228 : vector<1x16xi32> to vector<16xi32>
      %and3A_230 = arith.constant 65535 : i32
      %and3A_231 = vector.broadcast %and3A_230 : i32 to vector<16xi32>
      %and3A_232 = arith.andi %get3A_229, %and3A_231 : vector<16xi32>
      %swap3A_233 = arith.constant 16 : index
      %swap3A_234 = tpu.vector_load %arg12[%swap3A_233] {strides = array<i32>} : memref<64xi32, #tpu.memory_space<vmem>>, vector<16xi32>,
      %swap3A_235 = vector.shape_cast %swap3A_234 : vector<16xi32> to vector<16xi32>
      %swap3A_236 = vector.shape_cast %and3A_232 : vector<16xi32> to vector<16xi32>
      tpu.vector_store %arg12[%swap3A_233], %swap3A_236 {strides = array<i32>} : memref<64xi32, #tpu.memory_space<vmem>>, vector<16xi32>,
      %shift_right_arithmetic3A_237 = arith.constant 16 : i32
      %shift_right_arithmetic3A_238 = vector.broadcast %shift_right_arithmetic3A_237 : i32 to vector<16xi32>
      %shift_right_arithmetic3A_239 = arith.shrsi %get3A_229, %shift_right_arithmetic3A_238 : vector<16xi32>
      %swap3A_240 = arith.constant 16 : index
      %swap3A_241 = tpu.vector_load %arg14[%swap3A_240] {strides = array<i32>} : memref<64xi32, #tpu.memory_space<vmem>>, vector<16xi32>,
      %swap3A_242 = vector.shape_cast %swap3A_241 : vector<16xi32> to vector<16xi32>
      %swap3A_243 = vector.shape_cast %shift_right_arithmetic3A_239 : vector<16xi32> to vector<16xi32>
      tpu.vector_store %arg14[%swap3A_240], %swap3A_243 {strides = array<i32>} : memref<64xi32, #tpu.memory_space<vmem>>, vector<16xi32>,
      %get3A_244 = arith.constant 0 : i32
      %get3A_245 = arith.index_cast %get3A_244 : i32 to index
      %get3A_246 = arith.constant 96 : index
      %get3A_247 = tpu.vector_load %arg8[%get3A_245, %get3A_246] {strides = array<i32>} : memref<16x128xi32, #tpu.memory_space<vmem>>, vector<1x16xi32>,
      %get3A_248 = vector.shape_cast %get3A_247 : vector<1x16xi32> to vector<16xi32>
      %and3A_249 = arith.constant 65535 : i32
      %and3A_250 = vector.broadcast %and3A_249 : i32 to vector<16xi32>
      %and3A_251 = arith.andi %get3A_248, %and3A_250 : vector<16xi32>
      %swap3A_252 = arith.constant 32 : index
      %swap3A_253 = tpu.vector_load %arg12[%swap3A_252] {strides = array<i32>} : memref<64xi32, #tpu.memory_space<vmem>>, vector<16xi32>,
      %swap3A_254 = vector.shape_cast %swap3A_253 : vector<16xi32> to vector<16xi32>
      %swap3A_255 = vector.shape_cast %and3A_251 : vector<16xi32> to vector<16xi32>
      tpu.vector_store %arg12[%swap3A_252], %swap3A_255 {strides = array<i32>} : memref<64xi32, #tpu.memory_space<vmem>>, vector<16xi32>,
      %shift_right_arithmetic3A_256 = arith.constant 16 : i32
      %shift_right_arithmetic3A_257 = vector.broadcast %shift_right_arithmetic3A_256 : i32 to vector<16xi32>
      %shift_right_arithmetic3A_258 = arith.shrsi %get3A_248, %shift_right_arithmetic3A_257 : vector<16xi32>
      %swap3A_259 = arith.constant 32 : index
      %swap3A_260 = tpu.vector_load %arg14[%swap3A_259] {strides = array<i32>} : memref<64xi32, #tpu.memory_space<vmem>>, vector<16xi32>,
      %swap3A_261 = vector.shape_cast %swap3A_260 : vector<16xi32> to vector<16xi32>
      %swap3A_262 = vector.shape_cast %shift_right_arithmetic3A_258 : vector<16xi32> to vector<16xi32>
      tpu.vector_store %arg14[%swap3A_259], %swap3A_262 {strides = array<i32>} : memref<64xi32, #tpu.memory_space<vmem>>, vector<16xi32>,
      %get3A_263 = arith.constant 0 : i32
      %get3A_264 = arith.index_cast %get3A_263 : i32 to index
      %get3A_265 = arith.constant 112 : index
      %get3A_266 = tpu.vector_load %arg8[%get3A_264, %get3A_265] {strides = array<i32>} : memref<16x128xi32, #tpu.memory_space<vmem>>, vector<1x16xi32>,
      %get3A_267 = vector.shape_cast %get3A_266 : vector<1x16xi32> to vector<16xi32>
      %and3A_268 = arith.constant 65535 : i32
      %and3A_269 = vector.broadcast %and3A_268 : i32 to vector<16xi32>
      %and3A_270 = arith.andi %get3A_267, %and3A_269 : vector<16xi32>
      %swap3A_271 = arith.constant 48 : index
      %swap3A_272 = tpu.vector_load %arg12[%swap3A_271] {strides = array<i32>} : memref<64xi32, #tpu.memory_space<vmem>>, vector<16xi32>,
      %swap3A_273 = vector.shape_cast %swap3A_272 : vector<16xi32> to vector<16xi32>
      %swap3A_274 = vector.shape_cast %and3A_270 : vector<16xi32> to vector<16xi32>
      tpu.vector_store %arg12[%swap3A_271], %swap3A_274 {strides = array<i32>} : memref<64xi32, #tpu.memory_space<vmem>>, vector<16xi32>,
      %shift_right_arithmetic3A_275 = arith.constant 16 : i32
      %shift_right_arithmetic3A_276 = vector.broadcast %shift_right_arithmetic3A_275 : i32 to vector<16xi32>
      %shift_right_arithmetic3A_277 = arith.shrsi %get3A_267, %shift_right_arithmetic3A_276 : vector<16xi32>
      %swap3A_278 = arith.constant 48 : index
      %swap3A_279 = tpu.vector_load %arg14[%swap3A_278] {strides = array<i32>} : memref<64xi32, #tpu.memory_space<vmem>>, vector<16xi32>,
      %swap3A_280 = vector.shape_cast %swap3A_279 : vector<16xi32> to vector<16xi32>
      %swap3A_281 = vector.shape_cast %shift_right_arithmetic3A_277 : vector<16xi32> to vector<16xi32>
      tpu.vector_store %arg14[%swap3A_278], %swap3A_281 {strides = array<i32>} : memref<64xi32, #tpu.memory_space<vmem>>, vector<16xi32>,
      %dma_start3A_282 = arith.constant 0 : i32
      %dma_start3A_283 = arith.constant 0 : i32
      %dma_start3A_284 = tpu.memref_slice %arg2[%dma_start3A_282, %dma_start3A_283] : memref<10000x128xf32, #tpu.memory_space<hbm>> -> memref<10000x128xf32, #tpu.memory_space<hbm>>
      tpu.enqueue_indirect_dma source(%dma_start3A_284 : memref<10000x128xf32, #tpu.memory_space<hbm>>) target(%arg10 : memref<64x128xf32, #tpu.memory_space<vmem>>) offsets(%arg12 : memref<64xi32, #tpu.memory_space<vmem>>) semaphore(%arg18 : memref<!tpu.dma_semaphore, #tpu.memory_space<semaphore_mem>>)
      %scan3A_285 = arith.constant 0 : i32
      %scan3A_286 = arith.constant 15 : i32
      %scan3A_287 = arith.addi %scan3A_285, %scan3A_286 : i32
      %scan3A_288 = arith.constant 1 : i32
      scf.for %scan3A_295 = %scan3A_285 to %scan3A_287 step %scan3A_288  : i32 {
        %mul3A_296 = arith.constant 1 : i32
        %mul3A_297 = arith.muli %scan3A_295, %mul3A_296 : i32
        %add3A_298 = arith.constant 0 : i32
        %add3A_299 = arith.addi %add3A_298, %mul3A_297 : i32
        %dma_wait3A_300 = arith.constant 0 : i32
        %dma_wait3A_301 = arith.constant 0 : i32
        %dma_wait3A_302 = tpu.memref_slice %arg2[%dma_wait3A_300, %dma_wait3A_301] : memref<10000x128xf32, #tpu.memory_space<hbm>> -> memref<10000x128xf32, #tpu.memory_space<hbm>>
        tpu.wait_indirect_dma semaphore(%arg17 : memref<!tpu.dma_semaphore, #tpu.memory_space<semaphore_mem>>) src(%dma_wait3A_302 : memref<10000x128xf32, #tpu.memory_space<hbm>>) dst(%arg9 : memref<64x128xf32, #tpu.memory_space<vmem>>)
        "tpu.region"() ({
          %run_scoped3A = tpu.sem_alloc : memref<!tpu.dma_semaphore, #tpu.memory_space<semaphore_mem>>
          %dma_start3A_564 = arith.constant 0 : i32
          %dma_start3A_565 = arith.constant 0 : i32
          %dma_start3A_566 = tpu.memref_slice %arg6[%dma_start3A_564, %dma_start3A_565] : memref<10112x128xf32, #tpu.memory_space<vmem_shared>> -> memref<10112x128xf32, #tpu.memory_space<vmem_shared>>
          tpu.enqueue_indirect_dma source(%arg9 : memref<64x128xf32, #tpu.memory_space<vmem>>) target(%dma_start3A_566 : memref<10112x128xf32, #tpu.memory_space<vmem_shared>>) offsets(%arg13 : memref<64xi32, #tpu.memory_space<vmem>>) semaphore(%run_scoped3A : memref<!tpu.dma_semaphore, #tpu.memory_space<semaphore_mem>>) {add = true}
          %dma_wait3A_567 = arith.constant 0 : i32
          %dma_wait3A_568 = arith.constant 0 : i32
          %dma_wait3A_569 = tpu.memref_slice %arg6[%dma_wait3A_567, %dma_wait3A_568] : memref<10112x128xf32, #tpu.memory_space<vmem_shared>> -> memref<10112x128xf32, #tpu.memory_space<vmem_shared>>
          tpu.wait_indirect_dma semaphore(%run_scoped3A : memref<!tpu.dma_semaphore, #tpu.memory_space<semaphore_mem>>) src(%arg9 : memref<64x128xf32, #tpu.memory_space<vmem>>) dst(%dma_wait3A_569 : memref<10112x128xf32, #tpu.memory_space<vmem_shared>>)
          tpu.yield
        }) : () -> ()
        "tpu.region"() ({
          %run_scoped3A = tpu.sem_alloc : memref<!tpu.dma_semaphore, #tpu.memory_space<semaphore_mem>>
          %dma_start3A_564 = arith.constant 0 : i32
          %dma_start3A_565 = tpu.memref_slice %arg7[%dma_start3A_564] : memref<10240xf32, #tpu.memory_space<vmem_shared>> -> memref<10240xf32, #tpu.memory_space<vmem_shared>>
          tpu.enqueue_indirect_dma source(%arg15 : memref<64xf32, #tpu.memory_space<vmem>>) target(%dma_start3A_565 : memref<10240xf32, #tpu.memory_space<vmem_shared>>) offsets(%arg13 : memref<64xi32, #tpu.memory_space<vmem>>) semaphore(%run_scoped3A : memref<!tpu.dma_semaphore, #tpu.memory_space<semaphore_mem>>) {add = true}
          %dma_wait3A_566 = arith.constant 0 : i32
          %dma_wait3A_567 = tpu.memref_slice %arg7[%dma_wait3A_566] : memref<10240xf32, #tpu.memory_space<vmem_shared>> -> memref<10240xf32, #tpu.memory_space<vmem_shared>>
          tpu.wait_indirect_dma semaphore(%run_scoped3A : memref<!tpu.dma_semaphore, #tpu.memory_space<semaphore_mem>>) src(%arg15 : memref<64xf32, #tpu.memory_space<vmem>>) dst(%dma_wait3A_567 : memref<10240xf32, #tpu.memory_space<vmem_shared>>)
          tpu.yield
        }) : () -> ()
        %mul3A_303 = arith.constant 2 : i32
        %mul3A_304 = arith.muli %mul3A_303, %add3A_299 : i32
        %add3A_305 = arith.constant 2 : i32
        %add3A_306 = arith.addi %mul3A_304, %add3A_305 : i32
        %add3A_307 = arith.constant 0 : i32
        %add3A_308 = arith.addi %add3A_306, %add3A_307 : i32
        %jit3A_309 = arith.constant 2 : i32
        %div3A_310 = arith.divsi %add3A_308, %jit3A_309 : i32
        %sign3A = arith.constant 0 : i32
        %sign3A_311 = arith.cmpi sgt, %add3A_308, %sign3A : i32
        %sign3A_312 = arith.extui %sign3A_311 : i1 to i32
        %sign3A_313 = arith.constant 0 : i32
        %sign3A_314 = arith.cmpi slt, %add3A_308, %sign3A_313 : i32
        %sign3A_315 = arith.extui %sign3A_314 : i1 to i32
        %sign3A_316 = arith.subi %sign3A_312, %sign3A_315 : i32
        %sign3A_317 = arith.constant 0 : i32
        %sign3A_318 = arith.cmpi sgt, %jit3A_309, %sign3A_317 : i32
        %sign3A_319 = arith.extui %sign3A_318 : i1 to i32
        %sign3A_320 = arith.constant 0 : i32
        %sign3A_321 = arith.cmpi slt, %jit3A_309, %sign3A_320 : i32
        %sign3A_322 = arith.extui %sign3A_321 : i1 to i32
        %sign3A_323 = arith.subi %sign3A_319, %sign3A_322 : i32
        %ne3A = arith.cmpi ne, %sign3A_316, %sign3A_323 : i32
        %rem3A = arith.remsi %add3A_308, %jit3A_309 : i32
        %ne3A_324 = arith.constant 0 : i32
        %ne3A_325 = arith.cmpi ne, %rem3A, %ne3A_324 : i32
        %and3A_326 = arith.andi %ne3A, %ne3A_325 : i1
        %sub3A_327 = arith.constant 1 : i32
        %sub3A_328 = arith.subi %div3A_310, %sub3A_327 : i32
        %select_n3A_329 = arith.select %and3A_326, %sub3A_328, %div3A_310 : i32
        %jit3A_330 = arith.constant 2 : i32
        %eq3A_331 = arith.constant 0 : i32
        %eq3A_332 = arith.cmpi eq, %jit3A_330, %eq3A_331 : i32
        %jit3A_333 = arith.constant 1 : i32
        %select_n3A_334 = arith.select %eq3A_332, %jit3A_333, %jit3A_330 : i32
        %rem3A_335 = arith.remsi %add3A_308, %select_n3A_334 : i32
        %ne3A_336 = arith.constant 0 : i32
        %ne3A_337 = arith.cmpi ne, %rem3A_335, %ne3A_336 : i32
        %lt3A = arith.constant 0 : i32
        %lt3A_338 = arith.cmpi slt, %rem3A_335, %lt3A : i32
        %lt3A_339 = arith.constant 0 : i32
        %lt3A_340 = arith.cmpi slt, %select_n3A_334, %lt3A_339 : i32
        %ne3A_341 = arith.xori %lt3A_338, %lt3A_340 : i1
        %and3A_342 = arith.andi %ne3A_341, %ne3A_337 : i1
        %add3A_343 = arith.addi %rem3A_335, %select_n3A_334 : i32
        %select_n3A_344 = arith.select %and3A_342, %add3A_343, %rem3A_335 : i32
        %mul3A_345 = arith.constant 64 : i32
        %mul3A_346 = arith.muli %select_n3A_344, %mul3A_345 : i32
        %add3A_347 = arith.constant 0 : i32
        %add3A_348 = arith.addi %mul3A_346, %add3A_347 : i32
        %get3A_349 = arith.index_cast %select_n3A_329 : i32 to index
        %get3A_350 = arith.index_cast %add3A_348 : i32 to index
        %get3A_351 = tpu.vector_load %arg8[%get3A_349, %get3A_350] {strides = array<i32>} : memref<16x128xi32, #tpu.memory_space<vmem>>, vector<1x16xi32>,
        %get3A_352 = vector.shape_cast %get3A_351 : vector<1x16xi32> to vector<16xi32>
        %and3A_353 = arith.constant 65535 : i32
        %and3A_354 = vector.broadcast %and3A_353 : i32 to vector<16xi32>
        %and3A_355 = arith.andi %get3A_352, %and3A_354 : vector<16xi32>
        %swap3A_356 = arith.constant 0 : index
        %swap3A_357 = tpu.vector_load %arg11[%swap3A_356] {strides = array<i32>} : memref<64xi32, #tpu.memory_space<vmem>>, vector<16xi32>,
        %swap3A_358 = vector.shape_cast %swap3A_357 : vector<16xi32> to vector<16xi32>
        %swap3A_359 = vector.shape_cast %and3A_355 : vector<16xi32> to vector<16xi32>
        tpu.vector_store %arg11[%swap3A_356], %swap3A_359 {strides = array<i32>} : memref<64xi32, #tpu.memory_space<vmem>>, vector<16xi32>,
        %shift_right_arithmetic3A_360 = arith.constant 16 : i32
        %shift_right_arithmetic3A_361 = vector.broadcast %shift_right_arithmetic3A_360 : i32 to vector<16xi32>
        %shift_right_arithmetic3A_362 = arith.shrsi %get3A_352, %shift_right_arithmetic3A_361 : vector<16xi32>
        %swap3A_363 = arith.constant 0 : index
        %swap3A_364 = tpu.vector_load %arg13[%swap3A_363] {strides = array<i32>} : memref<64xi32, #tpu.memory_space<vmem>>, vector<16xi32>,
        %swap3A_365 = vector.shape_cast %swap3A_364 : vector<16xi32> to vector<16xi32>
        %swap3A_366 = vector.shape_cast %shift_right_arithmetic3A_362 : vector<16xi32> to vector<16xi32>
        tpu.vector_store %arg13[%swap3A_363], %swap3A_366 {strides = array<i32>} : memref<64xi32, #tpu.memory_space<vmem>>, vector<16xi32>,
        %add3A_367 = arith.constant 16 : i32
        %add3A_368 = arith.addi %mul3A_346, %add3A_367 : i32
        %get3A_369 = arith.index_cast %select_n3A_329 : i32 to index
        %get3A_370 = arith.index_cast %add3A_368 : i32 to index
        %get3A_371 = tpu.vector_load %arg8[%get3A_369, %get3A_370] {strides = array<i32>} : memref<16x128xi32, #tpu.memory_space<vmem>>, vector<1x16xi32>,
        %get3A_372 = vector.shape_cast %get3A_371 : vector<1x16xi32> to vector<16xi32>
        %and3A_373 = arith.constant 65535 : i32
        %and3A_374 = vector.broadcast %and3A_373 : i32 to vector<16xi32>
        %and3A_375 = arith.andi %get3A_372, %and3A_374 : vector<16xi32>
        %swap3A_376 = arith.constant 16 : index
        %swap3A_377 = tpu.vector_load %arg11[%swap3A_376] {strides = array<i32>} : memref<64xi32, #tpu.memory_space<vmem>>, vector<16xi32>,
        %swap3A_378 = vector.shape_cast %swap3A_377 : vector<16xi32> to vector<16xi32>
        %swap3A_379 = vector.shape_cast %and3A_375 : vector<16xi32> to vector<16xi32>
        tpu.vector_store %arg11[%swap3A_376], %swap3A_379 {strides = array<i32>} : memref<64xi32, #tpu.memory_space<vmem>>, vector<16xi32>,
        %shift_right_arithmetic3A_380 = arith.constant 16 : i32
        %shift_right_arithmetic3A_381 = vector.broadcast %shift_right_arithmetic3A_380 : i32 to vector<16xi32>
        %shift_right_arithmetic3A_382 = arith.shrsi %get3A_372, %shift_right_arithmetic3A_381 : vector<16xi32>
        %swap3A_383 = arith.constant 16 : index
        %swap3A_384 = tpu.vector_load %arg13[%swap3A_383] {strides = array<i32>} : memref<64xi32, #tpu.memory_space<vmem>>, vector<16xi32>,
        %swap3A_385 = vector.shape_cast %swap3A_384 : vector<16xi32> to vector<16xi32>
        %swap3A_386 = vector.shape_cast %shift_right_arithmetic3A_382 : vector<16xi32> to vector<16xi32>
        tpu.vector_store %arg13[%swap3A_383], %swap3A_386 {strides = array<i32>} : memref<64xi32, #tpu.memory_space<vmem>>, vector<16xi32>,
        %add3A_387 = arith.constant 32 : i32
        %add3A_388 = arith.addi %mul3A_346, %add3A_387 : i32
        %get3A_389 = arith.index_cast %select_n3A_329 : i32 to index
        %get3A_390 = arith.index_cast %add3A_388 : i32 to index
        %get3A_391 = tpu.vector_load %arg8[%get3A_389, %get3A_390] {strides = array<i32>} : memref<16x128xi32, #tpu.memory_space<vmem>>, vector<1x16xi32>,
        %get3A_392 = vector.shape_cast %get3A_391 : vector<1x16xi32> to vector<16xi32>
        %and3A_393 = arith.constant 65535 : i32
        %and3A_394 = vector.broadcast %and3A_393 : i32 to vector<16xi32>
        %and3A_395 = arith.andi %get3A_392, %and3A_394 : vector<16xi32>
        %swap3A_396 = arith.constant 32 : index
        %swap3A_397 = tpu.vector_load %arg11[%swap3A_396] {strides = array<i32>} : memref<64xi32, #tpu.memory_space<vmem>>, vector<16xi32>,
        %swap3A_398 = vector.shape_cast %swap3A_397 : vector<16xi32> to vector<16xi32>
        %swap3A_399 = vector.shape_cast %and3A_395 : vector<16xi32> to vector<16xi32>
        tpu.vector_store %arg11[%swap3A_396], %swap3A_399 {strides = array<i32>} : memref<64xi32, #tpu.memory_space<vmem>>, vector<16xi32>,
        %shift_right_arithmetic3A_400 = arith.constant 16 : i32
        %shift_right_arithmetic3A_401 = vector.broadcast %shift_right_arithmetic3A_400 : i32 to vector<16xi32>
        %shift_right_arithmetic3A_402 = arith.shrsi %get3A_392, %shift_right_arithmetic3A_401 : vector<16xi32>
        %swap3A_403 = arith.constant 32 : index
        %swap3A_404 = tpu.vector_load %arg13[%swap3A_403] {strides = array<i32>} : memref<64xi32, #tpu.memory_space<vmem>>, vector<16xi32>,
        %swap3A_405 = vector.shape_cast %swap3A_404 : vector<16xi32> to vector<16xi32>
        %swap3A_406 = vector.shape_cast %shift_right_arithmetic3A_402 : vector<16xi32> to vector<16xi32>
        tpu.vector_store %arg13[%swap3A_403], %swap3A_406 {strides = array<i32>} : memref<64xi32, #tpu.memory_space<vmem>>, vector<16xi32>,
        %add3A_407 = arith.constant 48 : i32
        %add3A_408 = arith.addi %mul3A_346, %add3A_407 : i32
        %get3A_409 = arith.index_cast %select_n3A_329 : i32 to index
        %get3A_410 = arith.index_cast %add3A_408 : i32 to index
        %get3A_411 = tpu.vector_load %arg8[%get3A_409, %get3A_410] {strides = array<i32>} : memref<16x128xi32, #tpu.memory_space<vmem>>, vector<1x16xi32>,
        %get3A_412 = vector.shape_cast %get3A_411 : vector<1x16xi32> to vector<16xi32>
        %and3A_413 = arith.constant 65535 : i32
        %and3A_414 = vector.broadcast %and3A_413 : i32 to vector<16xi32>
        %and3A_415 = arith.andi %get3A_412, %and3A_414 : vector<16xi32>
        %swap3A_416 = arith.constant 48 : index
        %swap3A_417 = tpu.vector_load %arg11[%swap3A_416] {strides = array<i32>} : memref<64xi32, #tpu.memory_space<vmem>>, vector<16xi32>,
        %swap3A_418 = vector.shape_cast %swap3A_417 : vector<16xi32> to vector<16xi32>
        %swap3A_419 = vector.shape_cast %and3A_415 : vector<16xi32> to vector<16xi32>
        tpu.vector_store %arg11[%swap3A_416], %swap3A_419 {strides = array<i32>} : memref<64xi32, #tpu.memory_space<vmem>>, vector<16xi32>,
        %shift_right_arithmetic3A_420 = arith.constant 16 : i32
        %shift_right_arithmetic3A_421 = vector.broadcast %shift_right_arithmetic3A_420 : i32 to vector<16xi32>
        %shift_right_arithmetic3A_422 = arith.shrsi %get3A_412, %shift_right_arithmetic3A_421 : vector<16xi32>
        %swap3A_423 = arith.constant 48 : index
        %swap3A_424 = tpu.vector_load %arg13[%swap3A_423] {strides = array<i32>} : memref<64xi32, #tpu.memory_space<vmem>>, vector<16xi32>,
        %swap3A_425 = vector.shape_cast %swap3A_424 : vector<16xi32> to vector<16xi32>
        %swap3A_426 = vector.shape_cast %shift_right_arithmetic3A_422 : vector<16xi32> to vector<16xi32>
        tpu.vector_store %arg13[%swap3A_423], %swap3A_426 {strides = array<i32>} : memref<64xi32, #tpu.memory_space<vmem>>, vector<16xi32>,
        %dma_start3A_427 = arith.constant 0 : i32
        %dma_start3A_428 = arith.constant 0 : i32
        %dma_start3A_429 = tpu.memref_slice %arg2[%dma_start3A_427, %dma_start3A_428] : memref<10000x128xf32, #tpu.memory_space<hbm>> -> memref<10000x128xf32, #tpu.memory_space<hbm>>
        tpu.enqueue_indirect_dma source(%dma_start3A_429 : memref<10000x128xf32, #tpu.memory_space<hbm>>) target(%arg9 : memref<64x128xf32, #tpu.memory_space<vmem>>) offsets(%arg11 : memref<64xi32, #tpu.memory_space<vmem>>) semaphore(%arg17 : memref<!tpu.dma_semaphore, #tpu.memory_space<semaphore_mem>>)
        %dma_wait3A_430 = arith.constant 0 : i32
        %dma_wait3A_431 = arith.constant 0 : i32
        %dma_wait3A_432 = tpu.memref_slice %arg2[%dma_wait3A_430, %dma_wait3A_431] : memref<10000x128xf32, #tpu.memory_space<hbm>> -> memref<10000x128xf32, #tpu.memory_space<hbm>>
        tpu.wait_indirect_dma semaphore(%arg18 : memref<!tpu.dma_semaphore, #tpu.memory_space<semaphore_mem>>) src(%dma_wait3A_432 : memref<10000x128xf32, #tpu.memory_space<hbm>>) dst(%arg10 : memref<64x128xf32, #tpu.memory_space<vmem>>)
        "tpu.region"() ({
          %run_scoped3A = tpu.sem_alloc : memref<!tpu.dma_semaphore, #tpu.memory_space<semaphore_mem>>
          %dma_start3A_564 = arith.constant 0 : i32
          %dma_start3A_565 = arith.constant 0 : i32
          %dma_start3A_566 = tpu.memref_slice %arg6[%dma_start3A_564, %dma_start3A_565] : memref<10112x128xf32, #tpu.memory_space<vmem_shared>> -> memref<10112x128xf32, #tpu.memory_space<vmem_shared>>
          tpu.enqueue_indirect_dma source(%arg10 : memref<64x128xf32, #tpu.memory_space<vmem>>) target(%dma_start3A_566 : memref<10112x128xf32, #tpu.memory_space<vmem_shared>>) offsets(%arg14 : memref<64xi32, #tpu.memory_space<vmem>>) semaphore(%run_scoped3A : memref<!tpu.dma_semaphore, #tpu.memory_space<semaphore_mem>>) {add = true}
          %dma_wait3A_567 = arith.constant 0 : i32
          %dma_wait3A_568 = arith.constant 0 : i32
          %dma_wait3A_569 = tpu.memref_slice %arg6[%dma_wait3A_567, %dma_wait3A_568] : memref<10112x128xf32, #tpu.memory_space<vmem_shared>> -> memref<10112x128xf32, #tpu.memory_space<vmem_shared>>
          tpu.wait_indirect_dma semaphore(%run_scoped3A : memref<!tpu.dma_semaphore, #tpu.memory_space<semaphore_mem>>) src(%arg10 : memref<64x128xf32, #tpu.memory_space<vmem>>) dst(%dma_wait3A_569 : memref<10112x128xf32, #tpu.memory_space<vmem_shared>>)
          tpu.yield
        }) : () -> ()
        "tpu.region"() ({
          %run_scoped3A = tpu.sem_alloc : memref<!tpu.dma_semaphore, #tpu.memory_space<semaphore_mem>>
          %dma_start3A_564 = arith.constant 0 : i32
          %dma_start3A_565 = tpu.memref_slice %arg7[%dma_start3A_564] : memref<10240xf32, #tpu.memory_space<vmem_shared>> -> memref<10240xf32, #tpu.memory_space<vmem_shared>>
          tpu.enqueue_indirect_dma source(%arg15 : memref<64xf32, #tpu.memory_space<vmem>>) target(%dma_start3A_565 : memref<10240xf32, #tpu.memory_space<vmem_shared>>) offsets(%arg14 : memref<64xi32, #tpu.memory_space<vmem>>) semaphore(%run_scoped3A : memref<!tpu.dma_semaphore, #tpu.memory_space<semaphore_mem>>) {add = true}
          %dma_wait3A_566 = arith.constant 0 : i32
          %dma_wait3A_567 = tpu.memref_slice %arg7[%dma_wait3A_566] : memref<10240xf32, #tpu.memory_space<vmem_shared>> -> memref<10240xf32, #tpu.memory_space<vmem_shared>>
          tpu.wait_indirect_dma semaphore(%run_scoped3A : memref<!tpu.dma_semaphore, #tpu.memory_space<semaphore_mem>>) src(%arg15 : memref<64xf32, #tpu.memory_space<vmem>>) dst(%dma_wait3A_567 : memref<10240xf32, #tpu.memory_space<vmem_shared>>)
          tpu.yield
        }) : () -> ()
        %mul3A_433 = arith.constant 2 : i32
        %mul3A_434 = arith.muli %mul3A_433, %add3A_299 : i32
        %add3A_435 = arith.constant 2 : i32
        %add3A_436 = arith.addi %mul3A_434, %add3A_435 : i32
        %add3A_437 = arith.constant 1 : i32
        %add3A_438 = arith.addi %add3A_436, %add3A_437 : i32
        %jit3A_439 = arith.constant 2 : i32
        %div3A_440 = arith.divsi %add3A_438, %jit3A_439 : i32
        %sign3A_441 = arith.constant 0 : i32
        %sign3A_442 = arith.cmpi sgt, %add3A_438, %sign3A_441 : i32
        %sign3A_443 = arith.extui %sign3A_442 : i1 to i32
        %sign3A_444 = arith.constant 0 : i32
        %sign3A_445 = arith.cmpi slt, %add3A_438, %sign3A_444 : i32
        %sign3A_446 = arith.extui %sign3A_445 : i1 to i32
        %sign3A_447 = arith.subi %sign3A_443, %sign3A_446 : i32
        %sign3A_448 = arith.constant 0 : i32
        %sign3A_449 = arith.cmpi sgt, %jit3A_439, %sign3A_448 : i32
        %sign3A_450 = arith.extui %sign3A_449 : i1 to i32
        %sign3A_451 = arith.constant 0 : i32
        %sign3A_452 = arith.cmpi slt, %jit3A_439, %sign3A_451 : i32
        %sign3A_453 = arith.extui %sign3A_452 : i1 to i32
        %sign3A_454 = arith.subi %sign3A_450, %sign3A_453 : i32
        %ne3A_455 = arith.cmpi ne, %sign3A_447, %sign3A_454 : i32
        %rem3A_456 = arith.remsi %add3A_438, %jit3A_439 : i32
        %ne3A_457 = arith.constant 0 : i32
        %ne3A_458 = arith.cmpi ne, %rem3A_456, %ne3A_457 : i32
        %and3A_459 = arith.andi %ne3A_455, %ne3A_458 : i1
        %sub3A_460 = arith.constant 1 : i32
        %sub3A_461 = arith.subi %div3A_440, %sub3A_460 : i32
        %select_n3A_462 = arith.select %and3A_459, %sub3A_461, %div3A_440 : i32
        %jit3A_463 = arith.constant 2 : i32
        %eq3A_464 = arith.constant 0 : i32
        %eq3A_465 = arith.cmpi eq, %jit3A_463, %eq3A_464 : i32
        %jit3A_466 = arith.constant 1 : i32
        %select_n3A_467 = arith.select %eq3A_465, %jit3A_466, %jit3A_463 : i32
        %rem3A_468 = arith.remsi %add3A_438, %select_n3A_467 : i32
        %ne3A_469 = arith.constant 0 : i32
        %ne3A_470 = arith.cmpi ne, %rem3A_468, %ne3A_469 : i32
        %lt3A_471 = arith.constant 0 : i32
        %lt3A_472 = arith.cmpi slt, %rem3A_468, %lt3A_471 : i32
        %lt3A_473 = arith.constant 0 : i32
        %lt3A_474 = arith.cmpi slt, %select_n3A_467, %lt3A_473 : i32
        %ne3A_475 = arith.xori %lt3A_472, %lt3A_474 : i1
        %and3A_476 = arith.andi %ne3A_475, %ne3A_470 : i1
        %add3A_477 = arith.addi %rem3A_468, %select_n3A_467 : i32
        %select_n3A_478 = arith.select %and3A_476, %add3A_477, %rem3A_468 : i32
        %mul3A_479 = arith.constant 64 : i32
        %mul3A_480 = arith.muli %select_n3A_478, %mul3A_479 : i32
        %add3A_481 = arith.constant 0 : i32
        %add3A_482 = arith.addi %mul3A_480, %add3A_481 : i32
        %get3A_483 = arith.index_cast %select_n3A_462 : i32 to index
        %get3A_484 = arith.index_cast %add3A_482 : i32 to index
        %get3A_485 = tpu.vector_load %arg8[%get3A_483, %get3A_484] {strides = array<i32>} : memref<16x128xi32, #tpu.memory_space<vmem>>, vector<1x16xi32>,
        %get3A_486 = vector.shape_cast %get3A_485 : vector<1x16xi32> to vector<16xi32>
        %and3A_487 = arith.constant 65535 : i32
        %and3A_488 = vector.broadcast %and3A_487 : i32 to vector<16xi32>
        %and3A_489 = arith.andi %get3A_486, %and3A_488 : vector<16xi32>
        %swap3A_490 = arith.constant 0 : index
        %swap3A_491 = tpu.vector_load %arg12[%swap3A_490] {strides = array<i32>} : memref<64xi32, #tpu.memory_space<vmem>>, vector<16xi32>,
        %swap3A_492 = vector.shape_cast %swap3A_491 : vector<16xi32> to vector<16xi32>
        %swap3A_493 = vector.shape_cast %and3A_489 : vector<16xi32> to vector<16xi32>
        tpu.vector_store %arg12[%swap3A_490], %swap3A_493 {strides = array<i32>} : memref<64xi32, #tpu.memory_space<vmem>>, vector<16xi32>,
        %shift_right_arithmetic3A_494 = arith.constant 16 : i32
        %shift_right_arithmetic3A_495 = vector.broadcast %shift_right_arithmetic3A_494 : i32 to vector<16xi32>
        %shift_right_arithmetic3A_496 = arith.shrsi %get3A_486, %shift_right_arithmetic3A_495 : vector<16xi32>
        %swap3A_497 = arith.constant 0 : index
        %swap3A_498 = tpu.vector_load %arg14[%swap3A_497] {strides = array<i32>} : memref<64xi32, #tpu.memory_space<vmem>>, vector<16xi32>,
        %swap3A_499 = vector.shape_cast %swap3A_498 : vector<16xi32> to vector<16xi32>
        %swap3A_500 = vector.shape_cast %shift_right_arithmetic3A_496 : vector<16xi32> to vector<16xi32>
        tpu.vector_store %arg14[%swap3A_497], %swap3A_500 {strides = array<i32>} : memref<64xi32, #tpu.memory_space<vmem>>, vector<16xi32>,
        %add3A_501 = arith.constant 16 : i32
        %add3A_502 = arith.addi %mul3A_480, %add3A_501 : i32
        %get3A_503 = arith.index_cast %select_n3A_462 : i32 to index
        %get3A_504 = arith.index_cast %add3A_502 : i32 to index
        %get3A_505 = tpu.vector_load %arg8[%get3A_503, %get3A_504] {strides = array<i32>} : memref<16x128xi32, #tpu.memory_space<vmem>>, vector<1x16xi32>,
        %get3A_506 = vector.shape_cast %get3A_505 : vector<1x16xi32> to vector<16xi32>
        %and3A_507 = arith.constant 65535 : i32
        %and3A_508 = vector.broadcast %and3A_507 : i32 to vector<16xi32>
        %and3A_509 = arith.andi %get3A_506, %and3A_508 : vector<16xi32>
        %swap3A_510 = arith.constant 16 : index
        %swap3A_511 = tpu.vector_load %arg12[%swap3A_510] {strides = array<i32>} : memref<64xi32, #tpu.memory_space<vmem>>, vector<16xi32>,
        %swap3A_512 = vector.shape_cast %swap3A_511 : vector<16xi32> to vector<16xi32>
        %swap3A_513 = vector.shape_cast %and3A_509 : vector<16xi32> to vector<16xi32>
        tpu.vector_store %arg12[%swap3A_510], %swap3A_513 {strides = array<i32>} : memref<64xi32, #tpu.memory_space<vmem>>, vector<16xi32>,
        %shift_right_arithmetic3A_514 = arith.constant 16 : i32
        %shift_right_arithmetic3A_515 = vector.broadcast %shift_right_arithmetic3A_514 : i32 to vector<16xi32>
        %shift_right_arithmetic3A_516 = arith.shrsi %get3A_506, %shift_right_arithmetic3A_515 : vector<16xi32>
        %swap3A_517 = arith.constant 16 : index
        %swap3A_518 = tpu.vector_load %arg14[%swap3A_517] {strides = array<i32>} : memref<64xi32, #tpu.memory_space<vmem>>, vector<16xi32>,
        %swap3A_519 = vector.shape_cast %swap3A_518 : vector<16xi32> to vector<16xi32>
        %swap3A_520 = vector.shape_cast %shift_right_arithmetic3A_516 : vector<16xi32> to vector<16xi32>
        tpu.vector_store %arg14[%swap3A_517], %swap3A_520 {strides = array<i32>} : memref<64xi32, #tpu.memory_space<vmem>>, vector<16xi32>,
        %add3A_521 = arith.constant 32 : i32
        %add3A_522 = arith.addi %mul3A_480, %add3A_521 : i32
        %get3A_523 = arith.index_cast %select_n3A_462 : i32 to index
        %get3A_524 = arith.index_cast %add3A_522 : i32 to index
        %get3A_525 = tpu.vector_load %arg8[%get3A_523, %get3A_524] {strides = array<i32>} : memref<16x128xi32, #tpu.memory_space<vmem>>, vector<1x16xi32>,
        %get3A_526 = vector.shape_cast %get3A_525 : vector<1x16xi32> to vector<16xi32>
        %and3A_527 = arith.constant 65535 : i32
        %and3A_528 = vector.broadcast %and3A_527 : i32 to vector<16xi32>
        %and3A_529 = arith.andi %get3A_526, %and3A_528 : vector<16xi32>
        %swap3A_530 = arith.constant 32 : index
        %swap3A_531 = tpu.vector_load %arg12[%swap3A_530] {strides = array<i32>} : memref<64xi32, #tpu.memory_space<vmem>>, vector<16xi32>,
        %swap3A_532 = vector.shape_cast %swap3A_531 : vector<16xi32> to vector<16xi32>
        %swap3A_533 = vector.shape_cast %and3A_529 : vector<16xi32> to vector<16xi32>
        tpu.vector_store %arg12[%swap3A_530], %swap3A_533 {strides = array<i32>} : memref<64xi32, #tpu.memory_space<vmem>>, vector<16xi32>,
        %shift_right_arithmetic3A_534 = arith.constant 16 : i32
        %shift_right_arithmetic3A_535 = vector.broadcast %shift_right_arithmetic3A_534 : i32 to vector<16xi32>
        %shift_right_arithmetic3A_536 = arith.shrsi %get3A_526, %shift_right_arithmetic3A_535 : vector<16xi32>
        %swap3A_537 = arith.constant 32 : index
        %swap3A_538 = tpu.vector_load %arg14[%swap3A_537] {strides = array<i32>} : memref<64xi32, #tpu.memory_space<vmem>>, vector<16xi32>,
        %swap3A_539 = vector.shape_cast %swap3A_538 : vector<16xi32> to vector<16xi32>
        %swap3A_540 = vector.shape_cast %shift_right_arithmetic3A_536 : vector<16xi32> to vector<16xi32>
        tpu.vector_store %arg14[%swap3A_537], %swap3A_540 {strides = array<i32>} : memref<64xi32, #tpu.memory_space<vmem>>, vector<16xi32>,
        %add3A_541 = arith.constant 48 : i32
        %add3A_542 = arith.addi %mul3A_480, %add3A_541 : i32
        %get3A_543 = arith.index_cast %select_n3A_462 : i32 to index
        %get3A_544 = arith.index_cast %add3A_542 : i32 to index
        %get3A_545 = tpu.vector_load %arg8[%get3A_543, %get3A_544] {strides = array<i32>} : memref<16x128xi32, #tpu.memory_space<vmem>>, vector<1x16xi32>,
        %get3A_546 = vector.shape_cast %get3A_545 : vector<1x16xi32> to vector<16xi32>
        %and3A_547 = arith.constant 65535 : i32
        %and3A_548 = vector.broadcast %and3A_547 : i32 to vector<16xi32>
        %and3A_549 = arith.andi %get3A_546, %and3A_548 : vector<16xi32>
        %swap3A_550 = arith.constant 48 : index
        %swap3A_551 = tpu.vector_load %arg12[%swap3A_550] {strides = array<i32>} : memref<64xi32, #tpu.memory_space<vmem>>, vector<16xi32>,
        %swap3A_552 = vector.shape_cast %swap3A_551 : vector<16xi32> to vector<16xi32>
        %swap3A_553 = vector.shape_cast %and3A_549 : vector<16xi32> to vector<16xi32>
        tpu.vector_store %arg12[%swap3A_550], %swap3A_553 {strides = array<i32>} : memref<64xi32, #tpu.memory_space<vmem>>, vector<16xi32>,
        %shift_right_arithmetic3A_554 = arith.constant 16 : i32
        %shift_right_arithmetic3A_555 = vector.broadcast %shift_right_arithmetic3A_554 : i32 to vector<16xi32>
        %shift_right_arithmetic3A_556 = arith.shrsi %get3A_546, %shift_right_arithmetic3A_555 : vector<16xi32>
        %swap3A_557 = arith.constant 48 : index
        %swap3A_558 = tpu.vector_load %arg14[%swap3A_557] {strides = array<i32>} : memref<64xi32, #tpu.memory_space<vmem>>, vector<16xi32>,
        %swap3A_559 = vector.shape_cast %swap3A_558 : vector<16xi32> to vector<16xi32>
        %swap3A_560 = vector.shape_cast %shift_right_arithmetic3A_556 : vector<16xi32> to vector<16xi32>
        tpu.vector_store %arg14[%swap3A_557], %swap3A_560 {strides = array<i32>} : memref<64xi32, #tpu.memory_space<vmem>>, vector<16xi32>,
        %dma_start3A_561 = arith.constant 0 : i32
        %dma_start3A_562 = arith.constant 0 : i32
        %dma_start3A_563 = tpu.memref_slice %arg2[%dma_start3A_561, %dma_start3A_562] : memref<10000x128xf32, #tpu.memory_space<hbm>> -> memref<10000x128xf32, #tpu.memory_space<hbm>>
        tpu.enqueue_indirect_dma source(%dma_start3A_563 : memref<10000x128xf32, #tpu.memory_space<hbm>>) target(%arg10 : memref<64x128xf32, #tpu.memory_space<vmem>>) offsets(%arg12 : memref<64xi32, #tpu.memory_space<vmem>>) semaphore(%arg18 : memref<!tpu.dma_semaphore, #tpu.memory_space<semaphore_mem>>)
      }
      %scan3A_289 = arith.constant 15 : i32
      %dma_wait3A = arith.constant 0 : i32
      %dma_wait3A_290 = arith.constant 0 : i32
      %dma_wait3A_291 = tpu.memref_slice %arg2[%dma_wait3A, %dma_wait3A_290] : memref<10000x128xf32, #tpu.memory_space<hbm>> -> memref<10000x128xf32, #tpu.memory_space<hbm>>
      tpu.wait_indirect_dma semaphore(%arg17 : memref<!tpu.dma_semaphore, #tpu.memory_space<semaphore_mem>>) src(%dma_wait3A_291 : memref<10000x128xf32, #tpu.memory_space<hbm>>) dst(%arg9 : memref<64x128xf32, #tpu.memory_space<vmem>>)
      "tpu.region"() ({
        %run_scoped3A = tpu.sem_alloc : memref<!tpu.dma_semaphore, #tpu.memory_space<semaphore_mem>>
        %dma_start3A_295 = arith.constant 0 : i32
        %dma_start3A_296 = arith.constant 0 : i32
        %dma_start3A_297 = tpu.memref_slice %arg6[%dma_start3A_295, %dma_start3A_296] : memref<10112x128xf32, #tpu.memory_space<vmem_shared>> -> memref<10112x128xf32, #tpu.memory_space<vmem_shared>>
        tpu.enqueue_indirect_dma source(%arg9 : memref<64x128xf32, #tpu.memory_space<vmem>>) target(%dma_start3A_297 : memref<10112x128xf32, #tpu.memory_space<vmem_shared>>) offsets(%arg13 : memref<64xi32, #tpu.memory_space<vmem>>) semaphore(%run_scoped3A : memref<!tpu.dma_semaphore, #tpu.memory_space<semaphore_mem>>) {add = true}
        %dma_wait3A_298 = arith.constant 0 : i32
        %dma_wait3A_299 = arith.constant 0 : i32
        %dma_wait3A_300 = tpu.memref_slice %arg6[%dma_wait3A_298, %dma_wait3A_299] : memref<10112x128xf32, #tpu.memory_space<vmem_shared>> -> memref<10112x128xf32, #tpu.memory_space<vmem_shared>>
        tpu.wait_indirect_dma semaphore(%run_scoped3A : memref<!tpu.dma_semaphore, #tpu.memory_space<semaphore_mem>>) src(%arg9 : memref<64x128xf32, #tpu.memory_space<vmem>>) dst(%dma_wait3A_300 : memref<10112x128xf32, #tpu.memory_space<vmem_shared>>)
        tpu.yield
      }) : () -> ()
      "tpu.region"() ({
        %run_scoped3A = tpu.sem_alloc : memref<!tpu.dma_semaphore, #tpu.memory_space<semaphore_mem>>
        %dma_start3A_295 = arith.constant 0 : i32
        %dma_start3A_296 = tpu.memref_slice %arg7[%dma_start3A_295] : memref<10240xf32, #tpu.memory_space<vmem_shared>> -> memref<10240xf32, #tpu.memory_space<vmem_shared>>
        tpu.enqueue_indirect_dma source(%arg15 : memref<64xf32, #tpu.memory_space<vmem>>) target(%dma_start3A_296 : memref<10240xf32, #tpu.memory_space<vmem_shared>>) offsets(%arg13 : memref<64xi32, #tpu.memory_space<vmem>>) semaphore(%run_scoped3A : memref<!tpu.dma_semaphore, #tpu.memory_space<semaphore_mem>>) {add = true}
        %dma_wait3A_297 = arith.constant 0 : i32
        %dma_wait3A_298 = tpu.memref_slice %arg7[%dma_wait3A_297] : memref<10240xf32, #tpu.memory_space<vmem_shared>> -> memref<10240xf32, #tpu.memory_space<vmem_shared>>
        tpu.wait_indirect_dma semaphore(%run_scoped3A : memref<!tpu.dma_semaphore, #tpu.memory_space<semaphore_mem>>) src(%arg15 : memref<64xf32, #tpu.memory_space<vmem>>) dst(%dma_wait3A_298 : memref<10240xf32, #tpu.memory_space<vmem_shared>>)
        tpu.yield
      }) : () -> ()
      %dma_wait3A_292 = arith.constant 0 : i32
      %dma_wait3A_293 = arith.constant 0 : i32
      %dma_wait3A_294 = tpu.memref_slice %arg2[%dma_wait3A_292, %dma_wait3A_293] : memref<10000x128xf32, #tpu.memory_space<hbm>> -> memref<10000x128xf32, #tpu.memory_space<hbm>>
      tpu.wait_indirect_dma semaphore(%arg18 : memref<!tpu.dma_semaphore, #tpu.memory_space<semaphore_mem>>) src(%dma_wait3A_294 : memref<10000x128xf32, #tpu.memory_space<hbm>>) dst(%arg10 : memref<64x128xf32, #tpu.memory_space<vmem>>)
      "tpu.region"() ({
        %run_scoped3A = tpu.sem_alloc : memref<!tpu.dma_semaphore, #tpu.memory_space<semaphore_mem>>
        %dma_start3A_295 = arith.constant 0 : i32
        %dma_start3A_296 = arith.constant 0 : i32
        %dma_start3A_297 = tpu.memref_slice %arg6[%dma_start3A_295, %dma_start3A_296] : memref<10112x128xf32, #tpu.memory_space<vmem_shared>> -> memref<10112x128xf32, #tpu.memory_space<vmem_shared>>
        tpu.enqueue_indirect_dma source(%arg10 : memref<64x128xf32, #tpu.memory_space<vmem>>) target(%dma_start3A_297 : memref<10112x128xf32, #tpu.memory_space<vmem_shared>>) offsets(%arg14 : memref<64xi32, #tpu.memory_space<vmem>>) semaphore(%run_scoped3A : memref<!tpu.dma_semaphore, #tpu.memory_space<semaphore_mem>>) {add = true}
        %dma_wait3A_298 = arith.constant 0 : i32
        %dma_wait3A_299 = arith.constant 0 : i32
        %dma_wait3A_300 = tpu.memref_slice %arg6[%dma_wait3A_298, %dma_wait3A_299] : memref<10112x128xf32, #tpu.memory_space<vmem_shared>> -> memref<10112x128xf32, #tpu.memory_space<vmem_shared>>
        tpu.wait_indirect_dma semaphore(%run_scoped3A : memref<!tpu.dma_semaphore, #tpu.memory_space<semaphore_mem>>) src(%arg10 : memref<64x128xf32, #tpu.memory_space<vmem>>) dst(%dma_wait3A_300 : memref<10112x128xf32, #tpu.memory_space<vmem_shared>>)
        tpu.yield
      }) : () -> ()
      "tpu.region"() ({
        %run_scoped3A = tpu.sem_alloc : memref<!tpu.dma_semaphore, #tpu.memory_space<semaphore_mem>>
        %dma_start3A_295 = arith.constant 0 : i32
        %dma_start3A_296 = tpu.memref_slice %arg7[%dma_start3A_295] : memref<10240xf32, #tpu.memory_space<vmem_shared>> -> memref<10240xf32, #tpu.memory_space<vmem_shared>>
        tpu.enqueue_indirect_dma source(%arg15 : memref<64xf32, #tpu.memory_space<vmem>>) target(%dma_start3A_296 : memref<10240xf32, #tpu.memory_space<vmem_shared>>) offsets(%arg14 : memref<64xi32, #tpu.memory_space<vmem>>) semaphore(%run_scoped3A : memref<!tpu.dma_semaphore, #tpu.memory_space<semaphore_mem>>) {add = true}
        %dma_wait3A_297 = arith.constant 0 : i32
        %dma_wait3A_298 = tpu.memref_slice %arg7[%dma_wait3A_297] : memref<10240xf32, #tpu.memory_space<vmem_shared>> -> memref<10240xf32, #tpu.memory_space<vmem_shared>>
        tpu.wait_indirect_dma semaphore(%run_scoped3A : memref<!tpu.dma_semaphore, #tpu.memory_space<semaphore_mem>>) src(%arg15 : memref<64xf32, #tpu.memory_space<vmem>>) dst(%dma_wait3A_298 : memref<10240xf32, #tpu.memory_space<vmem_shared>>)
        tpu.yield
      }) : () -> ()
    }
    %barrier3A_78 = arith.constant 0 : index
    tpu.barrier barrier_id(%barrier3A_78)
    %add3A_79 = arith.constant 0 : i32
    %add3A_80 = arith.addi %mul3A_0, %add3A_79 : i32
    %add3A_81 = arith.constant 0 : i32
    %add3A_82 = arith.addi %mul3A_0, %add3A_81 : i32
    "tpu.region"() ({
      %run_scoped3A = tpu.sem_alloc : memref<!tpu.dma_semaphore, #tpu.memory_space<semaphore_mem>>
      %dma_start3A = arith.constant 0 : i32
      %dma_start3A_127 = tpu.memref_slice %arg4[%arg0, %add3A_82, %dma_start3A] : memref<2x10112x128xf32, #tpu.memory_space<hbm>> -> memref<1x64x128xf32, #tpu.memory_space<hbm>>
      %dma_start3A_128 = tpu.memref_squeeze %dma_start3A_127 : memref<1x64x128xf32, #tpu.memory_space<hbm>> -> memref<64x128xf32, #tpu.memory_space<hbm>>
      %dma_start3A_129 = arith.constant 0 : i32
      %dma_start3A_130 = tpu.memref_slice %arg6[%add3A_80, %dma_start3A_129] : memref<10112x128xf32, #tpu.memory_space<vmem_shared>> -> memref<64x128xf32, #tpu.memory_space<vmem_shared>>
      tpu.enqueue_dma source(%dma_start3A_130 : memref<64x128xf32, #tpu.memory_space<vmem_shared>>) target(%dma_start3A_128 : memref<64x128xf32, #tpu.memory_space<hbm>>) target_semaphore(%run_scoped3A : memref<!tpu.dma_semaphore, #tpu.memory_space<semaphore_mem>>)
      %dma_wait3A = arith.constant 0 : i32
      %dma_wait3A_131 = tpu.memref_slice %arg4[%arg0, %add3A_82, %dma_wait3A] : memref<2x10112x128xf32, #tpu.memory_space<hbm>> -> memref<1x64x128xf32, #tpu.memory_space<hbm>>
      %dma_wait3A_132 = tpu.memref_squeeze %dma_wait3A_131 : memref<1x64x128xf32, #tpu.memory_space<hbm>> -> memref<64x128xf32, #tpu.memory_space<hbm>>
      %dma_wait3A_133 = arith.constant 0 : i32
      %dma_wait3A_134 = tpu.memref_slice %arg6[%add3A_80, %dma_wait3A_133] : memref<10112x128xf32, #tpu.memory_space<vmem_shared>> -> memref<64x128xf32, #tpu.memory_space<vmem_shared>>
      tpu.wait_dma2 semaphore(%run_scoped3A : memref<!tpu.dma_semaphore, #tpu.memory_space<semaphore_mem>>) src(%dma_wait3A_134 : memref<64x128xf32, #tpu.memory_space<vmem_shared>>) dst(%dma_wait3A_132 : memref<64x128xf32, #tpu.memory_space<hbm>>)
      tpu.yield
    }) : () -> ()
    %add3A_83 = arith.constant 64 : i32
    %add3A_84 = arith.addi %mul3A_0, %add3A_83 : i32
    %add3A_85 = arith.constant 64 : i32
    %add3A_86 = arith.addi %mul3A_0, %add3A_85 : i32
    "tpu.region"() ({
      %run_scoped3A = tpu.sem_alloc : memref<!tpu.dma_semaphore, #tpu.memory_space<semaphore_mem>>
      %dma_start3A = arith.constant 0 : i32
      %dma_start3A_127 = tpu.memref_slice %arg4[%arg0, %add3A_86, %dma_start3A] : memref<2x10112x128xf32, #tpu.memory_space<hbm>> -> memref<1x64x128xf32, #tpu.memory_space<hbm>>
      %dma_start3A_128 = tpu.memref_squeeze %dma_start3A_127 : memref<1x64x128xf32, #tpu.memory_space<hbm>> -> memref<64x128xf32, #tpu.memory_space<hbm>>
      %dma_start3A_129 = arith.constant 0 : i32
      %dma_start3A_130 = tpu.memref_slice %arg6[%add3A_84, %dma_start3A_129] : memref<10112x128xf32, #tpu.memory_space<vmem_shared>> -> memref<64x128xf32, #tpu.memory_space<vmem_shared>>
      tpu.enqueue_dma source(%dma_start3A_130 : memref<64x128xf32, #tpu.memory_space<vmem_shared>>) target(%dma_start3A_128 : memref<64x128xf32, #tpu.memory_space<hbm>>) target_semaphore(%run_scoped3A : memref<!tpu.dma_semaphore, #tpu.memory_space<semaphore_mem>>)
      %dma_wait3A = arith.constant 0 : i32
      %dma_wait3A_131 = tpu.memref_slice %arg4[%arg0, %add3A_86, %dma_wait3A] : memref<2x10112x128xf32, #tpu.memory_space<hbm>> -> memref<1x64x128xf32, #tpu.memory_space<hbm>>
      %dma_wait3A_132 = tpu.memref_squeeze %dma_wait3A_131 : memref<1x64x128xf32, #tpu.memory_space<hbm>> -> memref<64x128xf32, #tpu.memory_space<hbm>>
      %dma_wait3A_133 = arith.constant 0 : i32
      %dma_wait3A_134 = tpu.memref_slice %arg6[%add3A_84, %dma_wait3A_133] : memref<10112x128xf32, #tpu.memory_space<vmem_shared>> -> memref<64x128xf32, #tpu.memory_space<vmem_shared>>
      tpu.wait_dma2 semaphore(%run_scoped3A : memref<!tpu.dma_semaphore, #tpu.memory_space<semaphore_mem>>) src(%dma_wait3A_134 : memref<64x128xf32, #tpu.memory_space<vmem_shared>>) dst(%dma_wait3A_132 : memref<64x128xf32, #tpu.memory_space<hbm>>)
      tpu.yield
    }) : () -> ()
    %add3A_87 = arith.constant 128 : i32
    %add3A_88 = arith.addi %mul3A_0, %add3A_87 : i32
    %add3A_89 = arith.constant 128 : i32
    %add3A_90 = arith.addi %mul3A_0, %add3A_89 : i32
    "tpu.region"() ({
      %run_scoped3A = tpu.sem_alloc : memref<!tpu.dma_semaphore, #tpu.memory_space<semaphore_mem>>
      %dma_start3A = arith.constant 0 : i32
      %dma_start3A_127 = tpu.memref_slice %arg4[%arg0, %add3A_90, %dma_start3A] : memref<2x10112x128xf32, #tpu.memory_space<hbm>> -> memref<1x64x128xf32, #tpu.memory_space<hbm>>
      %dma_start3A_128 = tpu.memref_squeeze %dma_start3A_127 : memref<1x64x128xf32, #tpu.memory_space<hbm>> -> memref<64x128xf32, #tpu.memory_space<hbm>>
      %dma_start3A_129 = arith.constant 0 : i32
      %dma_start3A_130 = tpu.memref_slice %arg6[%add3A_88, %dma_start3A_129] : memref<10112x128xf32, #tpu.memory_space<vmem_shared>> -> memref<64x128xf32, #tpu.memory_space<vmem_shared>>
      tpu.enqueue_dma source(%dma_start3A_130 : memref<64x128xf32, #tpu.memory_space<vmem_shared>>) target(%dma_start3A_128 : memref<64x128xf32, #tpu.memory_space<hbm>>) target_semaphore(%run_scoped3A : memref<!tpu.dma_semaphore, #tpu.memory_space<semaphore_mem>>)
      %dma_wait3A = arith.constant 0 : i32
      %dma_wait3A_131 = tpu.memref_slice %arg4[%arg0, %add3A_90, %dma_wait3A] : memref<2x10112x128xf32, #tpu.memory_space<hbm>> -> memref<1x64x128xf32, #tpu.memory_space<hbm>>
      %dma_wait3A_132 = tpu.memref_squeeze %dma_wait3A_131 : memref<1x64x128xf32, #tpu.memory_space<hbm>> -> memref<64x128xf32, #tpu.memory_space<hbm>>
      %dma_wait3A_133 = arith.constant 0 : i32
      %dma_wait3A_134 = tpu.memref_slice %arg6[%add3A_88, %dma_wait3A_133] : memref<10112x128xf32, #tpu.memory_space<vmem_shared>> -> memref<64x128xf32, #tpu.memory_space<vmem_shared>>
      tpu.wait_dma2 semaphore(%run_scoped3A : memref<!tpu.dma_semaphore, #tpu.memory_space<semaphore_mem>>) src(%dma_wait3A_134 : memref<64x128xf32, #tpu.memory_space<vmem_shared>>) dst(%dma_wait3A_132 : memref<64x128xf32, #tpu.memory_space<hbm>>)
      tpu.yield
    }) : () -> ()
    %add3A_91 = arith.constant 192 : i32
    %add3A_92 = arith.addi %mul3A_0, %add3A_91 : i32
    %add3A_93 = arith.constant 192 : i32
    %add3A_94 = arith.addi %mul3A_0, %add3A_93 : i32
    "tpu.region"() ({
      %run_scoped3A = tpu.sem_alloc : memref<!tpu.dma_semaphore, #tpu.memory_space<semaphore_mem>>
      %dma_start3A = arith.constant 0 : i32
      %dma_start3A_127 = tpu.memref_slice %arg4[%arg0, %add3A_94, %dma_start3A] : memref<2x10112x128xf32, #tpu.memory_space<hbm>> -> memref<1x64x128xf32, #tpu.memory_space<hbm>>
      %dma_start3A_128 = tpu.memref_squeeze %dma_start3A_127 : memref<1x64x128xf32, #tpu.memory_space<hbm>> -> memref<64x128xf32, #tpu.memory_space<hbm>>
      %dma_start3A_129 = arith.constant 0 : i32
      %dma_start3A_130 = tpu.memref_slice %arg6[%add3A_92, %dma_start3A_129] : memref<10112x128xf32, #tpu.memory_space<vmem_shared>> -> memref<64x128xf32, #tpu.memory_space<vmem_shared>>
      tpu.enqueue_dma source(%dma_start3A_130 : memref<64x128xf32, #tpu.memory_space<vmem_shared>>) target(%dma_start3A_128 : memref<64x128xf32, #tpu.memory_space<hbm>>) target_semaphore(%run_scoped3A : memref<!tpu.dma_semaphore, #tpu.memory_space<semaphore_mem>>)
      %dma_wait3A = arith.constant 0 : i32
      %dma_wait3A_131 = tpu.memref_slice %arg4[%arg0, %add3A_94, %dma_wait3A] : memref<2x10112x128xf32, #tpu.memory_space<hbm>> -> memref<1x64x128xf32, #tpu.memory_space<hbm>>
      %dma_wait3A_132 = tpu.memref_squeeze %dma_wait3A_131 : memref<1x64x128xf32, #tpu.memory_space<hbm>> -> memref<64x128xf32, #tpu.memory_space<hbm>>
      %dma_wait3A_133 = arith.constant 0 : i32
      %dma_wait3A_134 = tpu.memref_slice %arg6[%add3A_92, %dma_wait3A_133] : memref<10112x128xf32, #tpu.memory_space<vmem_shared>> -> memref<64x128xf32, #tpu.memory_space<vmem_shared>>
      tpu.wait_dma2 semaphore(%run_scoped3A : memref<!tpu.dma_semaphore, #tpu.memory_space<semaphore_mem>>) src(%dma_wait3A_134 : memref<64x128xf32, #tpu.memory_space<vmem_shared>>) dst(%dma_wait3A_132 : memref<64x128xf32, #tpu.memory_space<hbm>>)
      tpu.yield
    }) : () -> ()
    %add3A_95 = arith.constant 256 : i32
    %add3A_96 = arith.addi %mul3A_0, %add3A_95 : i32
    %add3A_97 = arith.constant 256 : i32
    %add3A_98 = arith.addi %mul3A_0, %add3A_97 : i32
    "tpu.region"() ({
      %run_scoped3A = tpu.sem_alloc : memref<!tpu.dma_semaphore, #tpu.memory_space<semaphore_mem>>
      %dma_start3A = arith.constant 0 : i32
      %dma_start3A_127 = tpu.memref_slice %arg4[%arg0, %add3A_98, %dma_start3A] : memref<2x10112x128xf32, #tpu.memory_space<hbm>> -> memref<1x64x128xf32, #tpu.memory_space<hbm>>
      %dma_start3A_128 = tpu.memref_squeeze %dma_start3A_127 : memref<1x64x128xf32, #tpu.memory_space<hbm>> -> memref<64x128xf32, #tpu.memory_space<hbm>>
      %dma_start3A_129 = arith.constant 0 : i32
      %dma_start3A_130 = tpu.memref_slice %arg6[%add3A_96, %dma_start3A_129] : memref<10112x128xf32, #tpu.memory_space<vmem_shared>> -> memref<64x128xf32, #tpu.memory_space<vmem_shared>>
      tpu.enqueue_dma source(%dma_start3A_130 : memref<64x128xf32, #tpu.memory_space<vmem_shared>>) target(%dma_start3A_128 : memref<64x128xf32, #tpu.memory_space<hbm>>) target_semaphore(%run_scoped3A : memref<!tpu.dma_semaphore, #tpu.memory_space<semaphore_mem>>)
      %dma_wait3A = arith.constant 0 : i32
      %dma_wait3A_131 = tpu.memref_slice %arg4[%arg0, %add3A_98, %dma_wait3A] : memref<2x10112x128xf32, #tpu.memory_space<hbm>> -> memref<1x64x128xf32, #tpu.memory_space<hbm>>
      %dma_wait3A_132 = tpu.memref_squeeze %dma_wait3A_131 : memref<1x64x128xf32, #tpu.memory_space<hbm>> -> memref<64x128xf32, #tpu.memory_space<hbm>>
      %dma_wait3A_133 = arith.constant 0 : i32
      %dma_wait3A_134 = tpu.memref_slice %arg6[%add3A_96, %dma_wait3A_133] : memref<10112x128xf32, #tpu.memory_space<vmem_shared>> -> memref<64x128xf32, #tpu.memory_space<vmem_shared>>
      tpu.wait_dma2 semaphore(%run_scoped3A : memref<!tpu.dma_semaphore, #tpu.memory_space<semaphore_mem>>) src(%dma_wait3A_134 : memref<64x128xf32, #tpu.memory_space<vmem_shared>>) dst(%dma_wait3A_132 : memref<64x128xf32, #tpu.memory_space<hbm>>)
      tpu.yield
    }) : () -> ()
    %add3A_99 = arith.constant 320 : i32
    %add3A_100 = arith.addi %mul3A_0, %add3A_99 : i32
    %add3A_101 = arith.constant 320 : i32
    %add3A_102 = arith.addi %mul3A_0, %add3A_101 : i32
    "tpu.region"() ({
      %run_scoped3A = tpu.sem_alloc : memref<!tpu.dma_semaphore, #tpu.memory_space<semaphore_mem>>
      %dma_start3A = arith.constant 0 : i32
      %dma_start3A_127 = tpu.memref_slice %arg4[%arg0, %add3A_102, %dma_start3A] : memref<2x10112x128xf32, #tpu.memory_space<hbm>> -> memref<1x64x128xf32, #tpu.memory_space<hbm>>
      %dma_start3A_128 = tpu.memref_squeeze %dma_start3A_127 : memref<1x64x128xf32, #tpu.memory_space<hbm>> -> memref<64x128xf32, #tpu.memory_space<hbm>>
      %dma_start3A_129 = arith.constant 0 : i32
      %dma_start3A_130 = tpu.memref_slice %arg6[%add3A_100, %dma_start3A_129] : memref<10112x128xf32, #tpu.memory_space<vmem_shared>> -> memref<64x128xf32, #tpu.memory_space<vmem_shared>>
      tpu.enqueue_dma source(%dma_start3A_130 : memref<64x128xf32, #tpu.memory_space<vmem_shared>>) target(%dma_start3A_128 : memref<64x128xf32, #tpu.memory_space<hbm>>) target_semaphore(%run_scoped3A : memref<!tpu.dma_semaphore, #tpu.memory_space<semaphore_mem>>)
      %dma_wait3A = arith.constant 0 : i32
      %dma_wait3A_131 = tpu.memref_slice %arg4[%arg0, %add3A_102, %dma_wait3A] : memref<2x10112x128xf32, #tpu.memory_space<hbm>> -> memref<1x64x128xf32, #tpu.memory_space<hbm>>
      %dma_wait3A_132 = tpu.memref_squeeze %dma_wait3A_131 : memref<1x64x128xf32, #tpu.memory_space<hbm>> -> memref<64x128xf32, #tpu.memory_space<hbm>>
      %dma_wait3A_133 = arith.constant 0 : i32
      %dma_wait3A_134 = tpu.memref_slice %arg6[%add3A_100, %dma_wait3A_133] : memref<10112x128xf32, #tpu.memory_space<vmem_shared>> -> memref<64x128xf32, #tpu.memory_space<vmem_shared>>
      tpu.wait_dma2 semaphore(%run_scoped3A : memref<!tpu.dma_semaphore, #tpu.memory_space<semaphore_mem>>) src(%dma_wait3A_134 : memref<64x128xf32, #tpu.memory_space<vmem_shared>>) dst(%dma_wait3A_132 : memref<64x128xf32, #tpu.memory_space<hbm>>)
      tpu.yield
    }) : () -> ()
    %add3A_103 = arith.constant 384 : i32
    %add3A_104 = arith.addi %mul3A_0, %add3A_103 : i32
    %add3A_105 = arith.constant 384 : i32
    %add3A_106 = arith.addi %mul3A_0, %add3A_105 : i32
    "tpu.region"() ({
      %run_scoped3A = tpu.sem_alloc : memref<!tpu.dma_semaphore, #tpu.memory_space<semaphore_mem>>
      %dma_start3A = arith.constant 0 : i32
      %dma_start3A_127 = tpu.memref_slice %arg4[%arg0, %add3A_106, %dma_start3A] : memref<2x10112x128xf32, #tpu.memory_space<hbm>> -> memref<1x64x128xf32, #tpu.memory_space<hbm>>
      %dma_start3A_128 = tpu.memref_squeeze %dma_start3A_127 : memref<1x64x128xf32, #tpu.memory_space<hbm>> -> memref<64x128xf32, #tpu.memory_space<hbm>>
      %dma_start3A_129 = arith.constant 0 : i32
      %dma_start3A_130 = tpu.memref_slice %arg6[%add3A_104, %dma_start3A_129] : memref<10112x128xf32, #tpu.memory_space<vmem_shared>> -> memref<64x128xf32, #tpu.memory_space<vmem_shared>>
      tpu.enqueue_dma source(%dma_start3A_130 : memref<64x128xf32, #tpu.memory_space<vmem_shared>>) target(%dma_start3A_128 : memref<64x128xf32, #tpu.memory_space<hbm>>) target_semaphore(%run_scoped3A : memref<!tpu.dma_semaphore, #tpu.memory_space<semaphore_mem>>)
      %dma_wait3A = arith.constant 0 : i32
      %dma_wait3A_131 = tpu.memref_slice %arg4[%arg0, %add3A_106, %dma_wait3A] : memref<2x10112x128xf32, #tpu.memory_space<hbm>> -> memref<1x64x128xf32, #tpu.memory_space<hbm>>
      %dma_wait3A_132 = tpu.memref_squeeze %dma_wait3A_131 : memref<1x64x128xf32, #tpu.memory_space<hbm>> -> memref<64x128xf32, #tpu.memory_space<hbm>>
      %dma_wait3A_133 = arith.constant 0 : i32
      %dma_wait3A_134 = tpu.memref_slice %arg6[%add3A_104, %dma_wait3A_133] : memref<10112x128xf32, #tpu.memory_space<vmem_shared>> -> memref<64x128xf32, #tpu.memory_space<vmem_shared>>
      tpu.wait_dma2 semaphore(%run_scoped3A : memref<!tpu.dma_semaphore, #tpu.memory_space<semaphore_mem>>) src(%dma_wait3A_134 : memref<64x128xf32, #tpu.memory_space<vmem_shared>>) dst(%dma_wait3A_132 : memref<64x128xf32, #tpu.memory_space<hbm>>)
      tpu.yield
    }) : () -> ()
    %add3A_107 = arith.constant 448 : i32
    %add3A_108 = arith.addi %mul3A_0, %add3A_107 : i32
    %add3A_109 = arith.constant 448 : i32
    %add3A_110 = arith.addi %mul3A_0, %add3A_109 : i32
    "tpu.region"() ({
      %run_scoped3A = tpu.sem_alloc : memref<!tpu.dma_semaphore, #tpu.memory_space<semaphore_mem>>
      %dma_start3A = arith.constant 0 : i32
      %dma_start3A_127 = tpu.memref_slice %arg4[%arg0, %add3A_110, %dma_start3A] : memref<2x10112x128xf32, #tpu.memory_space<hbm>> -> memref<1x64x128xf32, #tpu.memory_space<hbm>>
      %dma_start3A_128 = tpu.memref_squeeze %dma_start3A_127 : memref<1x64x128xf32, #tpu.memory_space<hbm>> -> memref<64x128xf32, #tpu.memory_space<hbm>>
      %dma_start3A_129 = arith.constant 0 : i32
      %dma_start3A_130 = tpu.memref_slice %arg6[%add3A_108, %dma_start3A_129] : memref<10112x128xf32, #tpu.memory_space<vmem_shared>> -> memref<64x128xf32, #tpu.memory_space<vmem_shared>>
      tpu.enqueue_dma source(%dma_start3A_130 : memref<64x128xf32, #tpu.memory_space<vmem_shared>>) target(%dma_start3A_128 : memref<64x128xf32, #tpu.memory_space<hbm>>) target_semaphore(%run_scoped3A : memref<!tpu.dma_semaphore, #tpu.memory_space<semaphore_mem>>)
      %dma_wait3A = arith.constant 0 : i32
      %dma_wait3A_131 = tpu.memref_slice %arg4[%arg0, %add3A_110, %dma_wait3A] : memref<2x10112x128xf32, #tpu.memory_space<hbm>> -> memref<1x64x128xf32, #tpu.memory_space<hbm>>
      %dma_wait3A_132 = tpu.memref_squeeze %dma_wait3A_131 : memref<1x64x128xf32, #tpu.memory_space<hbm>> -> memref<64x128xf32, #tpu.memory_space<hbm>>
      %dma_wait3A_133 = arith.constant 0 : i32
      %dma_wait3A_134 = tpu.memref_slice %arg6[%add3A_108, %dma_wait3A_133] : memref<10112x128xf32, #tpu.memory_space<vmem_shared>> -> memref<64x128xf32, #tpu.memory_space<vmem_shared>>
      tpu.wait_dma2 semaphore(%run_scoped3A : memref<!tpu.dma_semaphore, #tpu.memory_space<semaphore_mem>>) src(%dma_wait3A_134 : memref<64x128xf32, #tpu.memory_space<vmem_shared>>) dst(%dma_wait3A_132 : memref<64x128xf32, #tpu.memory_space<hbm>>)
      tpu.yield
    }) : () -> ()
    %add3A_111 = arith.constant 512 : i32
    %add3A_112 = arith.addi %mul3A_0, %add3A_111 : i32
    %add3A_113 = arith.constant 512 : i32
    %add3A_114 = arith.addi %mul3A_0, %add3A_113 : i32
    "tpu.region"() ({
      %run_scoped3A = tpu.sem_alloc : memref<!tpu.dma_semaphore, #tpu.memory_space<semaphore_mem>>
      %dma_start3A = arith.constant 0 : i32
      %dma_start3A_127 = tpu.memref_slice %arg4[%arg0, %add3A_114, %dma_start3A] : memref<2x10112x128xf32, #tpu.memory_space<hbm>> -> memref<1x64x128xf32, #tpu.memory_space<hbm>>
      %dma_start3A_128 = tpu.memref_squeeze %dma_start3A_127 : memref<1x64x128xf32, #tpu.memory_space<hbm>> -> memref<64x128xf32, #tpu.memory_space<hbm>>
      %dma_start3A_129 = arith.constant 0 : i32
      %dma_start3A_130 = tpu.memref_slice %arg6[%add3A_112, %dma_start3A_129] : memref<10112x128xf32, #tpu.memory_space<vmem_shared>> -> memref<64x128xf32, #tpu.memory_space<vmem_shared>>
      tpu.enqueue_dma source(%dma_start3A_130 : memref<64x128xf32, #tpu.memory_space<vmem_shared>>) target(%dma_start3A_128 : memref<64x128xf32, #tpu.memory_space<hbm>>) target_semaphore(%run_scoped3A : memref<!tpu.dma_semaphore, #tpu.memory_space<semaphore_mem>>)
      %dma_wait3A = arith.constant 0 : i32
      %dma_wait3A_131 = tpu.memref_slice %arg4[%arg0, %add3A_114, %dma_wait3A] : memref<2x10112x128xf32, #tpu.memory_space<hbm>> -> memref<1x64x128xf32, #tpu.memory_space<hbm>>
      %dma_wait3A_132 = tpu.memref_squeeze %dma_wait3A_131 : memref<1x64x128xf32, #tpu.memory_space<hbm>> -> memref<64x128xf32, #tpu.memory_space<hbm>>
      %dma_wait3A_133 = arith.constant 0 : i32
      %dma_wait3A_134 = tpu.memref_slice %arg6[%add3A_112, %dma_wait3A_133] : memref<10112x128xf32, #tpu.memory_space<vmem_shared>> -> memref<64x128xf32, #tpu.memory_space<vmem_shared>>
      tpu.wait_dma2 semaphore(%run_scoped3A : memref<!tpu.dma_semaphore, #tpu.memory_space<semaphore_mem>>) src(%dma_wait3A_134 : memref<64x128xf32, #tpu.memory_space<vmem_shared>>) dst(%dma_wait3A_132 : memref<64x128xf32, #tpu.memory_space<hbm>>)
      tpu.yield
    }) : () -> ()
    %add3A_115 = arith.constant 632 : i32
    %add3A_116 = arith.addi %mul3A_0, %add3A_115 : i32
    %sub3A_117 = arith.constant 56 : i32
    %sub3A_118 = arith.subi %add3A_116, %sub3A_117 : i32
    %add3A_119 = arith.constant 632 : i32
    %add3A_120 = arith.addi %mul3A_0, %add3A_119 : i32
    %sub3A_121 = arith.constant 56 : i32
    %sub3A_122 = arith.subi %add3A_120, %sub3A_121 : i32
    "tpu.region"() ({
      %run_scoped3A = tpu.sem_alloc : memref<!tpu.dma_semaphore, #tpu.memory_space<semaphore_mem>>
      %dma_start3A = arith.constant 0 : i32
      %dma_start3A_127 = tpu.memref_slice %arg4[%arg0, %sub3A_122, %dma_start3A] : memref<2x10112x128xf32, #tpu.memory_space<hbm>> -> memref<1x56x128xf32, #tpu.memory_space<hbm>>
      %dma_start3A_128 = tpu.memref_squeeze %dma_start3A_127 : memref<1x56x128xf32, #tpu.memory_space<hbm>> -> memref<56x128xf32, #tpu.memory_space<hbm>>
      %dma_start3A_129 = arith.constant 0 : i32
      %dma_start3A_130 = tpu.memref_slice %arg6[%sub3A_118, %dma_start3A_129] : memref<10112x128xf32, #tpu.memory_space<vmem_shared>> -> memref<56x128xf32, #tpu.memory_space<vmem_shared>>
      tpu.enqueue_dma source(%dma_start3A_130 : memref<56x128xf32, #tpu.memory_space<vmem_shared>>) target(%dma_start3A_128 : memref<56x128xf32, #tpu.memory_space<hbm>>) target_semaphore(%run_scoped3A : memref<!tpu.dma_semaphore, #tpu.memory_space<semaphore_mem>>)
      %dma_wait3A = arith.constant 0 : i32
      %dma_wait3A_131 = tpu.memref_slice %arg4[%arg0, %sub3A_122, %dma_wait3A] : memref<2x10112x128xf32, #tpu.memory_space<hbm>> -> memref<1x56x128xf32, #tpu.memory_space<hbm>>
      %dma_wait3A_132 = tpu.memref_squeeze %dma_wait3A_131 : memref<1x56x128xf32, #tpu.memory_space<hbm>> -> memref<56x128xf32, #tpu.memory_space<hbm>>
      %dma_wait3A_133 = arith.constant 0 : i32
      %dma_wait3A_134 = tpu.memref_slice %arg6[%sub3A_118, %dma_wait3A_133] : memref<10112x128xf32, #tpu.memory_space<vmem_shared>> -> memref<56x128xf32, #tpu.memory_space<vmem_shared>>
      tpu.wait_dma2 semaphore(%run_scoped3A : memref<!tpu.dma_semaphore, #tpu.memory_space<semaphore_mem>>) src(%dma_wait3A_134 : memref<56x128xf32, #tpu.memory_space<vmem_shared>>) dst(%dma_wait3A_132 : memref<56x128xf32, #tpu.memory_space<hbm>>)
      tpu.yield
    }) : () -> ()
    %mul3A_123 = arith.constant 640 : i32
    %mul3A_124 = arith.muli %arg1, %mul3A_123 : i32
    %mul3A_125 = arith.constant 640 : i32
    %mul3A_126 = arith.muli %arg1, %mul3A_125 : i32
    "tpu.region"() ({
      %run_scoped3A = tpu.sem_alloc : memref<!tpu.dma_semaphore, #tpu.memory_space<semaphore_mem>>
      %dma_start3A = tpu.memref_slice %arg5[%arg0, %mul3A_126] : memref<2x10240xf32, #tpu.memory_space<hbm>> -> memref<1x640xf32, #tpu.memory_space<hbm>>
      %dma_start3A_127 = tpu.memref_squeeze %dma_start3A : memref<1x640xf32, #tpu.memory_space<hbm>> -> memref<640xf32, #tpu.memory_space<hbm>>
      %dma_start3A_128 = tpu.memref_slice %arg7[%mul3A_124] : memref<10240xf32, #tpu.memory_space<vmem_shared>> -> memref<640xf32, #tpu.memory_space<vmem_shared>>
      tpu.enqueue_dma source(%dma_start3A_128 : memref<640xf32, #tpu.memory_space<vmem_shared>>) target(%dma_start3A_127 : memref<640xf32, #tpu.memory_space<hbm>>) target_semaphore(%run_scoped3A : memref<!tpu.dma_semaphore, #tpu.memory_space<semaphore_mem>>)
      %dma_wait3A = tpu.memref_slice %arg5[%arg0, %mul3A_126] : memref<2x10240xf32, #tpu.memory_space<hbm>> -> memref<1x640xf32, #tpu.memory_space<hbm>>
      %dma_wait3A_129 = tpu.memref_squeeze %dma_wait3A : memref<1x640xf32, #tpu.memory_space<hbm>> -> memref<640xf32, #tpu.memory_space<hbm>>
      %dma_wait3A_130 = tpu.memref_slice %arg7[%mul3A_124] : memref<10240xf32, #tpu.memory_space<vmem_shared>> -> memref<640xf32, #tpu.memory_space<vmem_shared>>
      tpu.wait_dma2 semaphore(%run_scoped3A : memref<!tpu.dma_semaphore, #tpu.memory_space<semaphore_mem>>) src(%dma_wait3A_130 : memref<640xf32, #tpu.memory_space<vmem_shared>>) dst(%dma_wait3A_129 : memref<640xf32, #tpu.memory_space<hbm>>)
      tpu.yield
    }) : () -> ()
    return
  }
}

module attributes {stable_mosaic.version = 14 : i64} {
  func.func @_tc_body(%arg0: i32, %arg1: memref<2000x128xf32, #tpu.memory_space<vmem>>, %arg2: memref<2x2000x128xf32, #tpu.memory_space<vmem>>, %arg3: memref<2x2000x1xf32, #tpu.memory_space<vmem>>, %arg4: memref<128x128xf32, #tpu.memory_space<vmem>>, %arg5: memref<128x128xf32, #tpu.memory_space<vmem>>, %arg6: memref<1x128xf32, #tpu.memory_space<vmem>>, %arg7: memref<2000x128xf32, #tpu.memory_space<vmem>>) attributes {dimension_semantics = [#tpu.dimension_semantics<arbitrary>], iteration_bounds = array<i64: 5>, scalar_prefetch = 0 : i64, scratch_operands = 0 : i64, tpu.core_type = #tpu.core_type<tc>, window_params = [{transform_indices = @transform_0, window_bounds = array<i64: 2000, 128>}, {transform_indices = @transform_1, window_bounds = array<i64: 2, 2000, 128>}, {transform_indices = @transform_2, window_bounds = array<i64: 2, 2000, 1>}, {pipeline_mode = #tpu.pipeline_mode<synchronous>, transform_indices = @transform_3, window_bounds = array<i64: 128, 128>}, {pipeline_mode = #tpu.pipeline_mode<synchronous>, transform_indices = @transform_4, window_bounds = array<i64: 128, 128>}, {pipeline_mode = #tpu.pipeline_mode<synchronous>, transform_indices = @transform_5, window_bounds = array<i64: 1, 128>}, {transform_indices = @transform_6, window_bounds = array<i64: 2000, 128>}]} {
    %get3A = arith.constant 0 : index
    %get3A_0 = arith.constant 0 : index
    %get3A_1 = arith.constant 0 : index
    %get3A_2 = vector.load %arg2[%get3A, %get3A_0, %get3A_1] : memref<2x2000x128xf32, #tpu.memory_space<vmem>>, vector<1x2000x128xf32>
    %get3A_3 = vector.shape_cast %get3A_2 : vector<1x2000x128xf32> to vector<2000x128xf32>
    %get3A_4 = arith.constant 1 : index
    %get3A_5 = arith.constant 0 : index
    %get3A_6 = arith.constant 0 : index
    %get3A_7 = vector.load %arg2[%get3A_4, %get3A_5, %get3A_6] : memref<2x2000x128xf32, #tpu.memory_space<vmem>>, vector<1x2000x128xf32>
    %get3A_8 = vector.shape_cast %get3A_7 : vector<1x2000x128xf32> to vector<2000x128xf32>
    %add3A = arith.addf %get3A_3, %get3A_8 : vector<2000x128xf32>
    %get3A_9 = arith.constant 0 : index
    %get3A_10 = arith.constant 0 : index
    %get3A_11 = arith.constant 0 : index
    %get3A_12 = vector.load %arg3[%get3A_9, %get3A_10, %get3A_11] : memref<2x2000x1xf32, #tpu.memory_space<vmem>>, vector<1x2000x1xf32>
    %get3A_13 = vector.shape_cast %get3A_12 : vector<1x2000x1xf32> to vector<2000x1xf32>
    %get3A_14 = arith.constant 1 : index
    %get3A_15 = arith.constant 0 : index
    %get3A_16 = arith.constant 0 : index
    %get3A_17 = vector.load %arg3[%get3A_14, %get3A_15, %get3A_16] : memref<2x2000x1xf32, #tpu.memory_space<vmem>>, vector<1x2000x1xf32>
    %get3A_18 = vector.shape_cast %get3A_17 : vector<1x2000x1xf32> to vector<2000x1xf32>
    %add3A_19 = arith.addf %get3A_13, %get3A_18 : vector<2000x1xf32>
    %max3A = arith.constant 1.000000e+00 : f32
    %max3A_20 = vector.broadcast %max3A : f32 to vector<2000x1xf32>
    %max3A_21 = arith.maximumf %add3A_19, %max3A_20 : vector<2000x1xf32>
    %div3A = vector.broadcast %max3A_21 : vector<2000x1xf32> to vector<2000x128xf32>
    %div3A_22 = arith.divf %add3A, %div3A : vector<2000x128xf32>
    %get3A_23 = arith.constant 0 : index
    %get3A_24 = arith.constant 0 : index
    %get3A_25 = vector.load %arg1[%get3A_23, %get3A_24] : memref<2000x128xf32, #tpu.memory_space<vmem>>, vector<2000x128xf32>
    %get3A_26 = arith.constant 0 : index
    %get3A_27 = arith.constant 0 : index
    %get3A_28 = vector.load %arg4[%get3A_26, %get3A_27] : memref<128x128xf32, #tpu.memory_space<vmem>>, vector<128x128xf32>
    %dot_general3A = arith.constant dense<0.000000e+00> : vector<2000x128xf32>
    %dot_general3A_29 = tpu.matmul %get3A_25, %get3A_28, %dot_general3A {dimension_numbers = #tpu.dot_dimension_numbers<[1], [0], [0], [1], [0, 0, 1, 1], [], []>, precision = #tpu.contract_precision<fp32>, transpose_lhs_hint = false} : vector<2000x128xf32>, vector<128x128xf32>, vector<2000x128xf32> -> vector<2000x128xf32>
    %get3A_30 = arith.constant 0 : index
    %get3A_31 = arith.constant 0 : index
    %get3A_32 = vector.load %arg5[%get3A_30, %get3A_31] : memref<128x128xf32, #tpu.memory_space<vmem>>, vector<128x128xf32>
    %dot_general3A_33 = arith.constant dense<0.000000e+00> : vector<2000x128xf32>
    %dot_general3A_34 = tpu.matmul %div3A_22, %get3A_32, %dot_general3A_33 {dimension_numbers = #tpu.dot_dimension_numbers<[1], [0], [0], [1], [0, 0, 1, 1], [], []>, precision = #tpu.contract_precision<fp32>, transpose_lhs_hint = false} : vector<2000x128xf32>, vector<128x128xf32>, vector<2000x128xf32> -> vector<2000x128xf32>
    %add3A_35 = arith.addf %dot_general3A_29, %dot_general3A_34 : vector<2000x128xf32>
    %get3A_36 = arith.constant 0 : index
    %get3A_37 = arith.constant 0 : index
    %get3A_38 = vector.load %arg6[%get3A_36, %get3A_37] : memref<1x128xf32, #tpu.memory_space<vmem>>, vector<1x128xf32>
    %add3A_39 = vector.broadcast %get3A_38 : vector<1x128xf32> to vector<2000x128xf32>
    %add3A_40 = arith.addf %add3A_35, %add3A_39 : vector<2000x128xf32>
    %swap3A = arith.constant 0 : index
    %swap3A_41 = arith.constant 0 : index
    %swap3A_42 = vector.load %arg7[%swap3A, %swap3A_41] : memref<2000x128xf32, #tpu.memory_space<vmem>>, vector<2000x128xf32>
    tpu.vector_store %arg7[%swap3A, %swap3A_41], %add3A_40 {strides = array<i32>} : memref<2000x128xf32, #tpu.memory_space<vmem>>, vector<2000x128xf32>,
    return
  }
  func.func @transform_0(%arg0: i32) -> (i32, i32) {
    %c0_i32 = arith.constant 0 : i32
    %c0_i32_0 = arith.constant 0 : i32
    return %arg0, %c0_i32 : i32, i32
  }
  func.func @transform_1(%arg0: i32) -> (i32, i32, i32) {
    %c0_i32 = arith.constant 0 : i32
    %c0_i32_0 = arith.constant 0 : i32
    %c0_i32_1 = arith.constant 0 : i32
    return %c0_i32, %arg0, %c0_i32_0 : i32, i32, i32
  }
  func.func @transform_2(%arg0: i32) -> (i32, i32, i32) {
    %c0_i32 = arith.constant 0 : i32
    %c0_i32_0 = arith.constant 0 : i32
    %c0_i32_1 = arith.constant 0 : i32
    return %c0_i32, %arg0, %c0_i32_0 : i32, i32, i32
  }
  func.func @transform_3(%arg0: i32) -> (i32, i32) {
    %c0_i32 = arith.constant 0 : i32
    %c0_i32_0 = arith.constant 0 : i32
    %c0_i32_1 = arith.constant 0 : i32
    return %c0_i32, %c0_i32_0 : i32, i32
  }
  func.func @transform_4(%arg0: i32) -> (i32, i32) {
    %c0_i32 = arith.constant 0 : i32
    %c0_i32_0 = arith.constant 0 : i32
    %c0_i32_1 = arith.constant 0 : i32
    return %c0_i32, %c0_i32_0 : i32, i32
  }
  func.func @transform_5(%arg0: i32) -> (i32, i32) {
    %c0_i32 = arith.constant 0 : i32
    %c0_i32_0 = arith.constant 0 : i32
    %c0_i32_1 = arith.constant 0 : i32
    return %c0_i32, %c0_i32_0 : i32, i32
  }
  func.func @transform_6(%arg0: i32) -> (i32, i32) {
    %c0_i32 = arith.constant 0 : i32
    %c0_i32_0 = arith.constant 0 : i32
    return %arg0, %c0_i32 : i32, i32
  }
}

</mosaic_0001>

<sc_bundles>
// kernel: kernel.4.cloned.1.call-start
scs
__scs_entry_jumppad:
0x0: {  	(pc) =	sbr.rel $0x88, $3  }
0x1: {  	(tag) =	ssettag $0x0;
	lr =	simm.s32 $0x1  }
0x2: {  	[smem:$0x3F9B] =	sst lr;
	_ =	strace $0xD0000000  }
0x3: {  	_ = 	snop  }
0x4: {  	_ = 	snop  }
0x5: {  	_ = 	snop  }
0x6: {  	_ = 	snop  }
0x7: {  	_ = 	snop  }
__scs_overlays_trampoline_lowered:
0x8: {  	[smem:$0x3FAA] =	sst s0  }
0x9: {  	[smem:$0x3FAB] =	sst s1  }
0xa: {  	[smem:$0x3FAC] =	sst s2  }
0xb: {  	[smem:$0x3FAD] =	sst s3  }
0xc: {  	[smem:$0x3FAE] =	sst s4  }
0xd: {  	[smem:$0x3FAF] =	sst s5  }
0xe: {  	[smem:$0x3FB0] =	sst s6  }
0xf: {  	[smem:$0x3FB1] =	sst s7  }
0x10: {  	[smem:$0x3FB2] =	sst s8  }
0x11: {  	[smem:$0x3FB3] =	sst s9;
	s0 =	simm.s32 @!p0 $0x0  }
0x12: {  	s1 =	sld [smem:$0x3F99];
	s0 =	simm.s32 @p0 $0x1  }
0x13: {  	[smem:$0x3FB4] =	sst s0;
	s0 =	simm.s32 @!p1 $0x0  }
0x14: {  	s2 =	sld [smem:$0x3F98];
	s0 =	simm.s32 @p1 $0x1  }
0x15: {  	[smem:$0x3FB5] =	sst s0;
	s0 =	simm.s32 @!p2 $0x0  }
0x16: {  	s3 =	sld [smem:$0x3FDB];
	s0 =	simm.s32 @p2 $0x1  }
0x17: {  	s4 =	simm.s32 $0x1BF5;
	[smem:$0x3FB7] =	sst s0  }
0x18: {  	s0 =	sld [smem:$0x3F9A];
	_ =	swait.ge [sflag:s4], $0x0  }
0x19: {  	s7 =	sld [smem:$0x3F9B]  }
0x1a: {  	s8 =	sadd.s32 $0xFFFFE003, lr  }
0x1b: {  	s9 =	sadd.s32 $0xFFFFFEF7, lr;
	s5 =	simm.s32 $0xFFFFFFFF;
	p2 =	slt.u32 s8, $0xFFFFF086  }
0x1c: {  	p1 =	slt.u32 s9, $0xF7A;
	s5 =	simm.s32 @!p2 $0x0  }
0x1d: {  	s5 =	simm.s32 @p1 $0x1;
	p0 =	seq.s32 s7, s2  }
0x1e: {  	s7 =	smul.u32 @!p0 $0xF7A, s2;
	p2 =	seq.s32 @!p0 s5, $0x0  }
0x1f: {  	s9 =	smul.u32 $0xF7A, s1;
	s8 =	simm.s32 @!p0 $0x1BF5;
	p2 =	por !p2, p0  }
0x20: {  	[sflag:s8] =	ssyncset.s32 @!p0 $0xFFFFF086;
	s6 =	sadd.s32 @!p0 s3, s7;
	s7 =	simm.s32 @!p0 $0x108  }
0x21: {  	s3 =	sadd.s32 s3, s9;
	s6 =	sadd.s32 @!p0 $0x88, s6;
	s7 =	simm.s32 @p2 $0x1082  }
0x22: {  	[simem:s7], [sflag:s8] =	dma.local @!p0 [hbm:s6], $0xF7A  }
0x23: {  	s9 =	sor.u32 $0xD0000000, s2;
	s6 =	simm.s32 $0x108;
	_ =	swait.ge @!p0 [sflag:s8], $0x0  }
0x24: {  	s3 =	sadd.s32 $0x88, s3;
	s6 =	simm.s32 @!p1 $0x1082;
	[sflag:s4] =	ssyncset.s32 $0xFFFFF086  }
0x25: {  	[simem:s6], [sflag:s4] =	dma.local [hbm:s3], $0xF7A  }
0x26: {  	[smem:$0x3F9B] =	sst s1;
	(tag) =	ssettag s2;
	_ =	strace s9  }
0x27: {  	s1 =	sld [smem:$0x3FAB]  }
0x28: {  	s2 =	sld [smem:$0x3FAC]  }
0x29: {  	s4 =	sld [smem:$0x3FAE]  }
0x2a: {  	p0 =	seq.s32 s5, $0x0;
	s5 =	sld [smem:$0x3FAF]  }
0x2b: {  	s6 =	sld [smem:$0x3FB0]  }
0x2c: {  	s7 =	sld [smem:$0x3FB1]  }
0x2d: {  	s3 =	simm.s32 $0x108;
	s8 =	sld [smem:$0x3FB2]  }
0x2e: {  	s3 =	simm.s32 @!p0 $0x1082;
	s9 =	sld [smem:$0x3FB3]  }
0x2f: {  	lr =	sadd.s32 s0, s3;
	s0 =	sld [smem:$0x3FAA]  }
0x30: {  	s3 =	sld [smem:$0x3FAD]  }
0x31: {  	[smem:$0x3FB6] =	sst s10  }
0x32: {  	s10 =	sld [smem:$0x3FB4];
	_ =	sdelay $0x3  }
0x33: {  	p0 =	seq.s32 s10, $0x1;
	s10 =	sld [smem:$0x3FB6];
	_ =	sdelay $0x3  }
0x34: {  	[smem:$0x3FB6] =	sst s10  }
0x35: {  	s10 =	sld [smem:$0x3FB5];
	_ =	sdelay $0x3  }
0x36: {  	p1 =	seq.s32 s10, $0x1;
	s10 =	sld [smem:$0x3FB6];
	_ =	sdelay $0x3  }
0x37: {  	[smem:$0x3FB6] =	sst s10  }
0x38: {  	s10 =	sld [smem:$0x3FB7]  }
0x39: {  	_ = 	snop;
	(pc) =	sbr.ind lr, $3  }
0x3a: {  	_ = 	snop  }
0x3b: {  	_ = 	snop  }
0x3c: {  	p2 =	seq.s32 s10, $0x1;
	s10 =	sld [smem:$0x3FB6]  }
0x3d: {  	_ =	shalt  }
0x3e: {  	_ =	shalt  }
0x3f: {  	_ =	shalt  }
0x40: {  	_ =	shalt  }
0x41: {  	_ =	shalt  }
0x42: {  	_ =	shalt  }
0x43: {  	_ =	shalt  }
0x44: {  	_ =	shalt  }
0x45: {  	_ =	shalt  }
0x46: {  	_ =	shalt  }
0x47: {  	_ =	shalt  }
0x48: {  	_ =	shalt  }
0x49: {  	_ =	shalt  }
0x4a: {  	_ =	shalt  }
0x4b: {  	_ =	shalt  }
0x4c: {  	_ =	shalt  }
0x4d: {  	_ =	shalt  }
0x4e: {  	_ =	shalt  }
0x4f: {  	_ =	shalt  }
0x50: {  	_ =	shalt  }
0x51: {  	_ =	shalt  }
0x52: {  	_ =	shalt  }
0x53: {  	_ =	shalt  }
0x54: {  	_ =	shalt  }
0x55: {  	_ =	shalt  }
0x56: {  	_ =	shalt  }
0x57: {  	_ =	shalt  }
0x58: {  	_ =	shalt  }
0x59: {  	_ =	shalt  }
0x5a: {  	_ =	shalt  }
0x5b: {  	_ =	shalt  }
0x5c: {  	_ =	shalt  }
0x5d: {  	_ =	shalt  }
0x5e: {  	_ =	shalt  }
0x5f: {  	_ =	shalt  }
0x60: {  	_ =	shalt  }
0x61: {  	_ =	shalt  }
0x62: {  	_ =	shalt  }
0x63: {  	_ =	shalt  }
0x64: {  	_ =	shalt  }
0x65: {  	_ =	shalt  }
0x66: {  	_ =	shalt  }
0x67: {  	_ =	shalt  }
0x68: {  	_ =	shalt  }
0x69: {  	_ =	shalt  }
0x6a: {  	_ =	shalt  }
0x6b: {  	_ =	shalt  }
0x6c: {  	_ =	shalt  }
0x6d: {  	_ =	shalt  }
0x6e: {  	_ =	shalt  }
0x6f: {  	_ =	shalt  }
0x70: {  	_ =	shalt  }
0x71: {  	_ =	shalt  }
0x72: {  	_ =	shalt  }
0x73: {  	_ =	shalt  }
0x74: {  	_ =	shalt  }
0x75: {  	_ =	shalt  }
0x76: {  	_ =	shalt  }
0x77: {  	_ =	shalt  }
0x78: {  	_ =	shalt  }
0x79: {  	_ =	shalt  }
0x7a: {  	_ =	shalt  }
0x7b: {  	_ =	shalt  }
0x7c: {  	_ =	shalt  }
0x7d: {  	_ =	shalt  }
0x7e: {  	_ =	shalt  }
0x7f: {  	_ =	shalt  }
0x80: {  	_ =	shalt  }
0x81: {  	_ =	shalt  }
0x82: {  	_ =	shalt  }
0x83: {  	_ =	shalt  }
0x84: {  	_ =	shalt  }
0x85: {  	_ =	shalt  }
0x86: {  	_ =	shalt  }
0x87: {  	_ =	shalt  }
.Lfunc_end0:
.L_simem_size_0:
called_computation_lowered:
.L_overlay_start_0:
0x88: {  	s2 =	sld [smem:$0x3FD9]  }
0x89: {  	s3 =	sld [smem:$0x3FFE];
	_ =	sdelay $0x1  }
0x8a: {  	s1 =	srdreg.scid  }
0x8b: {  	s0 =	sand.u32 $0x1, s1  }
0x8c: {  	s17 =	sshll.u32 s0, $0xA;
	s2 =	sadd.s32 s3, s2  }
0x8d: {  	s2 =	sadd.s32 s2, s17  }
0x8e: {  	[smem:$0x3FC2] =	sst s2  }
0x8f: {  	_ = 	snop  }
0x90: {  	s2 =	sld [smem:$0x3FC9]  }
0x91: {  	s18 =	sld [smem:$0x3FD0];
	(tm) =	ssettm $0x1  }
0x92: {  	s4 =	sld [smem:$0x3FFB];
	_ =	sdelay $0x3  }
0x93: {  	_ =	strace s4  }
0x94: {  	s4 =	sld [smem:$0x3FFC];
	_ =	sdelay $0x3  }
0x95: {  	_ =	strace s4  }
0x96: {  	s4 =	sld [smem:$0x3FFD];
	_ =	sdelay $0x3  }
0x97: {  	_ =	strace s4  }
0x98: {  	_ =	strace $0x8FFFFFFF  }
0x99: {  	s19 =	sld [smem:$0x3FDB];
	_ =	sdelay $0x1  }
0x9a: {  	s5 =	simm.s32 $_scs_section_size  }
0x9b: {  	s6 =	simm.s32 $_size__tile_overlayer_lowered;
	s7 =	simm.s32 $_tile_overlayer_lowered  }
0x9c: {  	s22 =	simm.s32 $0x1BFF;
	s21 =	sshll.u32 s7, $0x1;
	s4 =	sadd.s32 s5, s19  }
0x9d: {  	s8 =	simm.s32 $0x0;
	s20 =	sshll.u32 s6, $0x1;
	s6 =	sadd.s32 s21, s4  }
0x9e: {  	[timem:s8], [sflag:s22] =	dma.local [hbm:s6], s20  }
0x9f: {  	_ =	swait.ge [sflag:s22], s20  }
0xa0: {  	s5 =	ssub.s32 $0x0, s20;
	[sflag:s22] =	ssyncset.done $0x0  }
0xa1: {  	[sflag:s22] =	ssyncadd.s32 s5;
	_ =	sdelay $0x1  }
0xa2: {  	s23 =	simm.s32 $0x1B8B  }
0xa3: {  	_ =	swait.ge [sflag:s23], $0x1  }
0xa4: {  	[sflag:s23] =	ssyncset.done $0x0  }
0xa5: {  	s25 =	simm.s32 $0x1B8E;
	s24 =	sld [smem:$0x3FFE];
	[sflag:s23] =	ssyncadd.s32 $0xFFFFFFFF  }
0xa6: {  	s26 =	simm.s32 $execute0_lowered;
	[smem:$0x3FD2] =	sst s25  }
0xa7: {  	s6 =	sshll.u32 s26, $0x1;
	_ =	strace $0x80000046;
	[dreg:$0x1] =	wrdreg $0xFFFFFFFF  }
0xa8: {  	s28 =	simm.s32 $_size_execute0_lowered;
	s4 =	sadd.s32 s4, s6;
	[dreg:$0x0] =	wrdreg $0x0  }
0xa9: {  	s6 =	sshll.u32 s28, $0x1;
	[dreg:$0x2] =	wrdreg s4  }
0xaa: {  	[dreg:$0x3] =	wrdreg s6  }
0xab: {  	[dreg:$0x4] =	wrdreg $0xC0  }
0xac: {  	_ =	task [dreg:s8], $0x5FFFF  }
0xad: {  	[dreg:$0x1] =	wrdreg $0xFFFFFFFF  }
0xae: {  	[dreg:$0x0] =	wrdreg $0x60  }
0xaf: {  	[dreg:$0x2] =	wrdreg s2  }
0xb0: {  	[dreg:$0x3] =	wrdreg s18  }
0xb1: {  	[dreg:$0x4] =	wrdreg s24  }
0xb2: {  	[dreg:$0x5] =	wrdreg $0x0  }
0xb3: {  	[dreg:$0x6] =	wrdreg $0x13C000  }
0xb4: {  	[dreg:$0x7] =	wrdreg $0x9  }
0xb5: {  	_ =	task.clear_ibuf [dreg:s8], $0x8FFFF;
	_ =	strace $0x90000046  }
0xb6: {  	s29 =	simm.s32 $0x9;
	_ =	strace $0x80000048  }
0xb7: {  	_ =	swait.ge [sflag:s29], $0x1  }
0xb8: {  	[sflag:s29] =	ssyncadd.s32 $0xFFFFFFFF  }
0xb9: {  	_ =	strace $0x90000048  }
0xba: {  	_ =	sfence  }
0xbb: {  	s30 =	sld [smem:$0x0];
	_ =	sdelay $0x2  }
0xbc: {  	s31 =	sshll.u32 s1, $0xD;
	s1 =	sshrl.u32 s1, $0x2  }
0xbd: {  	s3 =	sand.u32 $0x4000, s31;
	s1 =	sadd.s32 s1, s30  }
0xbe: {  	s0 =	sor.u32 s3, s0;
	s1 =	sshll.u32 s1, $0x11  }
0xbf: {  	s0 =	sor.u32 s1, s0  }
0xc0: {  	s0 =	sadd.s32 $0x8F2B, s0  }
0xc1: {  	[sflag:s0] =	ssyncadd.remote.s32 $0x1  }
0xc2: {  	_ =	sfence.sel $0xFFFF  }
0xc3: {  	[dreg:$0x0] =	wrdreg $0xFFFFFFFF;
	(pc) =	sbr.abs _section_cstart, $3  }
0xc4: {  	[dreg:$0x1] =	wrdreg $0xFFFFFFFF  }
0xc5: {  	_ =	task.clear_ibuf [dreg:s8], $0x2FFFF;
	_ =	strace $0x9FFFFFFF  }
0xc6: {  	(tm) =	ssettm $0x7FFFFFFF  }
0xc7: {  	_ =	shalt  }
tec
execute0_lowered:
.L_overlay_start_1:
0x0: {  	(tag) =	ssettag $0x1  }
0x1: {  	s1 =	rddreg [dreg:$0x0]  }
0x2: {  	s0 =	rddreg [dreg:$0x2];
	s23 =	stileid.u32  }
0x3: {  	s3 =	srdreg.scid;
	s2 =	simm.s32 $0x0;
	s20 =	smul.u32 $0x500, s23  }
0x4: {  	s5 =	sand.u32 $0x1, s3;
	[smem:$0x7FF] =	sst s2;
	s6 =	smul.u32 $0x13C00, s23  }
0x5: {  	s7 =	sadd.s32 $0x1C00, s0;
	s12 =	smul.u32 $0x9, s23;
	s4 =	sshll.u32 s5, $0x7  }
0x6: {  	s21 =	ssub.s32 $0x2, s5;
	s14 =	smul.u32 $0x13C000, s5;
	p0 =	seq.s32 s5, $0x0  }
0x7: {  	s3 =	sor.u32 s4, s20;
	s8 =	sshrl.u32 s21, $0x1;
	s9 =	sadd.s32 $0x4000, s6  }
0x8: {  	s10 =	sadd.s32 $0x6000, s6;
	s11 =	sadd.s32 $0x8000, s6;
	s13 =	sadd.s32 $0xA000, s6  }
0x9: {  	s16 =	sadd.s32 $0xC000, s6;
	s17 =	sadd.s32 $0xE000, s6;
	s18 =	sadd.s32 $0x10000, s6  }
0xa: {  	s19 =	sadd.s32 $0x12000, s6;
	s3 =	sshrl.u32 s3, $0x3;
	s4 =	ssub.s32 s21, s8  }
0xb: {  	s8 =	sadd.s32 $0x2000, s6;
	s6 =	sadd.s32 s6, s14;
	s24 =	sadd.s32 s14, s9  }
0xc: {  	s25 =	sadd.s32 s14, s10;
	s26 =	sadd.s32 s14, s11;
	s20 =	sadd.s32 s14, s16  }
0xd: {  	s21 =	sadd.s32 s14, s17;
	s0 =	sadd.s32 s3, s0;
	s3 =	sor.u32 $0x90, s23  }
0xe: {  	s6 =	sshrl.u32 s6, $0x3;
	s15 =	sadd.s32 s14, s8;
	s3 =	smov.u32 @p0 s12  }
0xf: {  	s6 =	sadd.s32 s7, s6;
	s22 =	sshrl.u32 s15, $0x3;
	s12 =	sshrl.u32 s25, $0x3  }
0x10: {  	s15 =	sadd.s32 s14, s13;
	s25 =	sadd.s32 s14, s18;
	p0 =	sne.s32 s5, $0x0  }
0x11: {  	[dreg:$0x6] =	wrdreg s6;
	s6 =	sadd.s32 s7, s22;
	s30 =	sadd.s32 s7, s12  }
0x12: {  	s12 =	sshrl.u32 s26, $0x3;
	s26 =	sadd.s32 s14, s19;
	s14 =	rddreg [dreg:$0x3]  }
0x13: {  	s0 =	sadd.s32 $0x1200, s0;
	[dreg:$0x7] =	wrdreg s6;
	s6 =	sshrl.u32 s24, $0x3  }
0x14: {  	[dreg:$0x9] =	wrdreg s30;
	s24 =	sshrl.u32 s21, $0x3;
	s21 =	smul.u32 $0x4F000, s23  }
0x15: {  	s8 =	sadd.s32 s8, s14;
	s9 =	sadd.s32 s9, s14;
	s6 =	sadd.s32 s7, s6  }
0x16: {  	s28 =	sadd.s32 s19, s14;
	[dreg:$0x8] =	wrdreg s6;
	s6 =	sadd.s32 s7, s12  }
0x17: {  	s12 =	sshrl.u32 s20, $0x3;
	s20 =	sshrl.u32 s26, $0x3;
	[dreg:$0xa] =	wrdreg s6  }
0x18: {  	s26 =	sadd.s32 s18, s14;
	s22 =	sadd.s32 s7, s12;
	s12 =	rddreg [dreg:$0x1]  }
0x19: {  	s6 =	sshrl.u32 s15, $0x3;
	s15 =	rddreg [dreg:$0x4];
	s30 =	sadd.s32 s7, s20  }
0x1a: {  	s20 =	sadd.s32 s10, s14;
	s10 =	simm.s32 $0x18780;
	[dreg:$0xc] =	wrdreg s22  }
0x1b: {  	s6 =	sadd.s32 s7, s6;
	[dreg:$0xf] =	wrdreg s30;
	s22 =	sadd.s32 s11, s14  }
0x1c: {  	s30 =	smax.u32 s4, $0x1;
	[dreg:$0xb] =	wrdreg s6;
	s6 =	sadd.s32 s7, s24  }
0x1d: {  	s4 =	simm.s32 $0x13E80;
	[dreg:$0xd] =	wrdreg s6;
	s6 =	sshrl.u32 s25, $0x3  }
0x1e: {  	s11 =	simm.s32 $0x18880;
	s24 =	sadd.s32 s16, s14;
	s6 =	sadd.s32 s7, s6  }
0x1f: {  	s16 =	simm.s32 $0x2;
	s25 =	sadd.s32 s17, s14;
	[dreg:$0xe] =	wrdreg s6  }
0x20: {  	s17 =	simm.s32 $0x18800;
	_ =	strace $0x80000047;
	[dreg:$0x10] =	wrdreg s8  }
0x21: {  	s7 =	sshrl.u32 s21, $0x2;
	s21 =	smul.u32 $0xA00, s23;
	[dreg:$0x11] =	wrdreg s9  }
0x22: {  	s23 =	sadd.s32 s13, s14;
	s13 =	simm.s32 $0x14680;
	[dreg:$0x14] =	wrdreg s20  }
0x23: {  	s31 =	sadd.s32 s7, s14;
	s6 =	simm.s32 $0x18680;
	[dreg:$0x12] =	wrdreg s0  }
0x24: {  	s7 =	simm.s32 $0x18700;
	s5 =	sshrl.u32 s21, $0x2;
	[dreg:$0x13] =	wrdreg s30  }
0x25: {  	s0 =	simm.s32 $0x3;
	s8 =	simm.s32 $0x16680;
	s9 =	simm.s32 $0x1  }
0x26: {  	v0 =	vimm.f32 $0.0e+00;
	v1 =	vimm.f32 $1.000000000e+00;
	s21 =	simm.s32 $0x10;
	s29 =	sadd.s32 s5, s15;
	s5 =	simm.s32 $0x40  }
.LBB2_1:
0x27: {  	s18 =	simm.s32 $0x0;
	s19 =	simm.s32 $0x200  }
.LBB2_2:
0x28: {  	p1 =	sne.s32 s19, $0x7E00;
	[tilespmem:s18+$0x146F0] =	vst v0  }
0x29: {  	[tilespmem:s18+$0x14680] =	vst v0  }
0x2a: {  	[tilespmem:s18+$0x14690] =	vst v0  }
.Ltmp0:
0x2b: {  	[tilespmem:s18+$0x146A0] =	vst v0;
	(pc) =	sbr.rel @p1 .LBB2_2-.Ltmp0, $4  }
0x2c: {  	[tilespmem:s18+$0x146B0] =	vst v0  }
0x2d: {  	[tilespmem:s18+$0x146C0] =	vst v0  }
0x2e: {  	[tilespmem:s18+$0x146D0] =	vst v0  }
0x2f: {  	[tilespmem:s18+$0x146E0] =	vst v0;
	s18 =	sshra.s32 s19, $0x2;
	s19 =	sadd.s32 $0x200, s19  }
0x30: {  	[tilespmem:s18+$0x146F0] =	vst v0  }
0x31: {  	[tilespmem:s18+$0x14680] =	vst v0  }
0x32: {  	[tilespmem:s18+$0x14690] =	vst v0  }
0x33: {  	[tilespmem:s18+$0x146A0] =	vst v0  }
0x34: {  	[tilespmem:s18+$0x146B0] =	vst v0  }
0x35: {  	[tilespmem:s18+$0x146C0] =	vst v0  }
0x36: {  	[tilespmem:s18+$0x146D0] =	vst v0  }
0x37: {  	[tilespmem:s18+$0x146E0] =	vst v0  }
0x38: {  	[tilespmem:$0x18880] =	vst v1  }
0x39: {  	[tilespmem:$0x18890] =	vst v1  }
0x3a: {  	[tilespmem:$0x188A0] =	vst v1  }
0x3b: {  	[tilespmem:$0x188B0] =	vst v1  }
0x3c: {  	[tilespmem:$0x18900] =	vst v0  }
0x3d: {  	[tilespmem:$0x18910] =	vst v0  }
0x3e: {  	[tilespmem:$0x18920] =	vst v0  }
0x3f: {  	[tilespmem:$0x18930] =	vst v0  }
0x40: {  	[tilespmem:$0x18940] =	vst v0  }
0x41: {  	[tilespmem:$0x18950] =	vst v0  }
0x42: {  	[tilespmem:$0x18960] =	vst v0  }
0x43: {  	[tilespmem:$0x18970] =	vst v0  }
0x44: {  	[tilespmem:$0x18980] =	vst v0  }
0x45: {  	[tilespmem:$0x18990] =	vst v0  }
0x46: {  	[tilespmem:$0x189A0] =	vst v0  }
0x47: {  	[tilespmem:$0x189B0] =	vst v0  }
0x48: {  	[tilespmem:$0x189C0] =	vst v0  }
0x49: {  	[tilespmem:$0x189D0] =	vst v0  }
0x4a: {  	[tilespmem:$0x189E0] =	vst v0  }
0x4b: {  	[tilespmem:$0x189F0] =	vst v0  }
0x4c: {  	[tilespmem:$0x18A00] =	vst v0  }
0x4d: {  	[tilespmem:$0x18A10] =	vst v0  }
0x4e: {  	[tilespmem:$0x18A20] =	vst v0  }
0x4f: {  	[tilespmem:$0x18A30] =	vst v0  }
0x50: {  	[tilespmem:$0x18A40] =	vst v0  }
0x51: {  	[tilespmem:$0x18A50] =	vst v0  }
0x52: {  	[tilespmem:$0x18A60] =	vst v0  }
0x53: {  	[tilespmem:$0x18A70] =	vst v0  }
0x54: {  	[tilespmem:$0x18A80] =	vst v0  }
0x55: {  	[tilespmem:$0x18A90] =	vst v0  }
0x56: {  	[tilespmem:$0x18AA0] =	vst v0  }
0x57: {  	[tilespmem:$0x18AB0] =	vst v0  }
0x58: {  	[tilespmem:$0x18AC0] =	vst v0  }
0x59: {  	[tilespmem:$0x18AD0] =	vst v0  }
0x5a: {  	[tilespmem:$0x18AE0] =	vst v0  }
0x5b: {  	[tilespmem:$0x18AF0] =	vst v0  }
0x5c: {  	[tilespmem:$0x18B00] =	vst v0  }
0x5d: {  	[tilespmem:$0x18B10] =	vst v0  }
0x5e: {  	[tilespmem:$0x18B20] =	vst v0  }
0x5f: {  	[tilespmem:$0x18B30] =	vst v0  }
0x60: {  	[tilespmem:$0x18B40] =	vst v0  }
0x61: {  	[tilespmem:$0x18B50] =	vst v0  }
0x62: {  	[tilespmem:$0x18B60] =	vst v0  }
0x63: {  	[tilespmem:$0x18B70] =	vst v0  }
0x64: {  	[spmem:s31] =	stream.linear.scatter [tilespmem:s13], [sflag:$0x3], $0x2000, $0x38;
	[tilespmem:$0x18B80] =	vst v63  }
0x65: {  	_ =	swait.ge [sflag:s0], $0x2000  }
0x66: {  	[sflag:s0] =	ssyncset.done $0x0  }
0x67: {  	s19 =	rddreg [dreg:$0x10];
	[sflag:s0] =	ssyncadd.s32 $0xFFFFE000  }
0x68: {  	[spmem:s19] =	stream.linear.scatter [tilespmem:s13], [sflag:$0x3], $0x2000, $0x38;
	[tilespmem:$0x18B80] =	vst v63  }
0x69: {  	_ =	swait.ge [sflag:s0], $0x2000  }
0x6a: {  	[sflag:s0] =	ssyncset.done $0x0  }
0x6b: {  	s19 =	rddreg [dreg:$0x11];
	[sflag:s0] =	ssyncadd.s32 $0xFFFFE000  }
0x6c: {  	[spmem:s19] =	stream.linear.scatter [tilespmem:s13], [sflag:$0x3], $0x2000, $0x38;
	[tilespmem:$0x18B80] =	vst v63  }
0x6d: {  	_ =	swait.ge [sflag:s0], $0x2000  }
0x6e: {  	[sflag:s0] =	ssyncset.done $0x0  }
0x6f: {  	s19 =	rddreg [dreg:$0x14];
	[sflag:s0] =	ssyncadd.s32 $0xFFFFE000  }
0x70: {  	[spmem:s19] =	stream.linear.scatter [tilespmem:s13], [sflag:$0x3], $0x2000, $0x38;
	[tilespmem:$0x18B80] =	vst v63  }
0x71: {  	_ =	swait.ge [sflag:s0], $0x2000  }
0x72: {  	[sflag:s0] =	ssyncset.done $0x0  }
0x73: {  	[sflag:s0] =	ssyncadd.s32 $0xFFFFE000  }
0x74: {  	[spmem:s22] =	stream.linear.scatter [tilespmem:s13], [sflag:$0x3], $0x2000, $0x38;
	[tilespmem:$0x18B80] =	vst v63  }
0x75: {  	_ =	swait.ge [sflag:s0], $0x2000  }
0x76: {  	[sflag:s0] =	ssyncset.done $0x0  }
0x77: {  	[sflag:s0] =	ssyncadd.s32 $0xFFFFE000  }
0x78: {  	[spmem:s23] =	stream.linear.scatter [tilespmem:s13], [sflag:$0x3], $0x2000, $0x38;
	[tilespmem:$0x18B80] =	vst v63  }
0x79: {  	_ =	swait.ge [sflag:s0], $0x2000  }
0x7a: {  	[sflag:s0] =	ssyncset.done $0x0  }
0x7b: {  	[sflag:s0] =	ssyncadd.s32 $0xFFFFE000  }
0x7c: {  	[spmem:s24] =	stream.linear.scatter [tilespmem:s13], [sflag:$0x3], $0x2000, $0x38;
	[tilespmem:$0x18B80] =	vst v63  }
0x7d: {  	_ =	swait.ge [sflag:s0], $0x2000  }
0x7e: {  	[sflag:s0] =	ssyncset.done $0x0  }
0x7f: {  	[sflag:s0] =	ssyncadd.s32 $0xFFFFE000  }
0x80: {  	[spmem:s25] =	stream.linear.scatter [tilespmem:s13], [sflag:$0x3], $0x2000, $0x38;
	[tilespmem:$0x18B80] =	vst v63  }
0x81: {  	_ =	swait.ge [sflag:s0], $0x2000  }
0x82: {  	[sflag:s0] =	ssyncset.done $0x0  }
0x83: {  	[sflag:s0] =	ssyncadd.s32 $0xFFFFE000  }
0x84: {  	[spmem:s26] =	stream.linear.scatter [tilespmem:s13], [sflag:$0x3], $0x2000, $0x38;
	[tilespmem:$0x18B80] =	vst v63  }
0x85: {  	_ =	swait.ge [sflag:s0], $0x2000  }
0x86: {  	[sflag:s0] =	ssyncset.done $0x0  }
0x87: {  	[sflag:s0] =	ssyncadd.s32 $0xFFFFE000  }
0x88: {  	[spmem:s28] =	stream.linear.scatter [tilespmem:s13], [sflag:$0x3], $0x1C00, $0x38;
	[tilespmem:$0x18B80] =	vst v63  }
0x89: {  	_ =	swait.ge [sflag:s0], $0x1C00  }
0x8a: {  	[sflag:s0] =	ssyncset.done $0x0  }
0x8b: {  	s19 =	simm.s32 $0x18900;
	[sflag:s0] =	ssyncadd.s32 $0xFFFFE400  }
0x8c: {  	[spmem:s29] =	stream.linear.scatter [tilespmem:s19], [sflag:$0x3], $0x280, $0x38;
	[tilespmem:$0x18B80] =	vst v63  }
0x8d: {  	_ =	swait.ge [sflag:s0], $0x280  }
0x8e: {  	[sflag:s0] =	ssyncset.done $0x0  }
0x8f: {  	s20 =	smov.u32 s31;
	[sflag:s0] =	ssyncadd.s32 $0xFFFFFD80  }
0x90: {  	s30 =	simm.s32 $0x0;
	s31 =	simm.s32 $0x0;
	[bflag:$0x0] =	sbarrier.arrive $0xFFFF  }
.LBB2_4:
0x91: {  	s18 =	sadd.s32 s3, s31  }
0x92: {  	s18 =	sshll.u32 s18, $0x8  }
0x93: {  	s18 =	sadd.s32 s12, s18  }
0x94: {  	[tilespmem:s4], [sflag:$0x3] =	stream.linear.gather [hbm4b:s18+s30], $0x800, $0x38;
	[tilespmem:$0x18B80] =	vst v63  }
0x95: {  	_ =	swait.ge [sflag:s0], $0x800  }
0x96: {  	[sflag:s0] =	ssyncset.done $0x0  }
0x97: {  	[sflag:s0] =	ssyncadd.s32 $0xFFFFF800  }
0x98: {  	v2 =	vld [tilespmem:$0x13E80];
	_ =	sdelay $0x1  }
0x99: {  	v3 =	vld [tilespmem:$0x13E90];
	_ =	sdelay $0x1  }
0x9a: {  	v4 =	vld [tilespmem:$0x13EA0]  }
0x9b: {  	v5 =	vand.u32 $0xFFFF, v2  }
0x9c: {  	v60 =	vld [tilespmem:$0x13EB0];
	v2 =	vshra.s32 v2, $0x10;
	[tilespmem:$0x18680] =	vst v5  }
0x9d: {  	[tilespmem:$0x18780] =	vst v2;
	v2 =	vand.u32 $0xFFFF, v3  }
0x9e: {  	[tilespmem:$0x18690] =	vst v2;
	v2 =	vshra.s32 v3, $0x10  }
0x9f: {  	[tilespmem:$0x18790] =	vst v2;
	v2 =	vand.u32 $0xFFFF, v4  }
0xa0: {  	[tilespmem:$0x186A0] =	vst v2;
	v2 =	vshra.s32 v4, $0x10  }
0xa1: {  	[tilespmem:$0x187A0] =	vst v2;
	v2 =	vand.u32 $0xFFFF, v60  }
0xa2: {  	[tilespmem:$0x186B0] =	vst v2;
	v2 =	vshra.s32 v60, $0x10  }
0xa3: {  	[tilespmem:$0x187B0] =	vst v2  }
0xa4: {  	[tilespmem:s13], [sflag:$0x1] =	stream.indirect.gather [hbm4b:s1+s5], $0x80, s6, s5, $0xb8;
	[tilespmem:$0x18B80] =	vst v63  }
0xa5: {  	v2 =	vld [tilespmem:$0x13EC0];
	_ =	sdelay $0x1  }
0xa6: {  	v3 =	vld [tilespmem:$0x13ED0];
	_ =	sdelay $0x1  }
0xa7: {  	v61 =	vld [tilespmem:$0x13EE0]  }
0xa8: {  	v62 =	vand.u32 $0xFFFF, v2  }
0xa9: {  	v63 =	vld [tilespmem:$0x13EF0];
	v2 =	vshra.s32 v2, $0x10;
	[tilespmem:$0x18700] =	vst v62  }
0xaa: {  	[tilespmem:$0x18800] =	vst v2;
	v2 =	vand.u32 $0xFFFF, v3  }
0xab: {  	[tilespmem:$0x18710] =	vst v2;
	v2 =	vshra.s32 v3, $0x10  }
0xac: {  	[tilespmem:$0x18810] =	vst v2;
	v2 =	vand.u32 $0xFFFF, v61  }
0xad: {  	[tilespmem:$0x18720] =	vst v2;
	v2 =	vshra.s32 v61, $0x10  }
0xae: {  	[tilespmem:$0x18820] =	vst v2;
	v2 =	vand.u32 $0xFFFF, v63  }
0xaf: {  	[tilespmem:$0x18730] =	vst v2;
	v2 =	vshra.s32 v63, $0x10  }
0xb0: {  	[tilespmem:$0x18830] =	vst v2  }
0xb1: {  	[tilespmem:s8], [sflag:$0x2] =	stream.indirect.gather [hbm4b:s1+s5], $0x80, s7, s5, $0xb8;
	[tilespmem:$0x18B80] =	vst v63  }
0xb2: {  	_ =	swait.ge [sflag:s9], $0x2000  }
0xb3: {  	[sflag:s9] =	ssyncset.done $0x0  }
0xb4: {  	[sflag:s9] =	ssyncadd.s32 $0xFFFFE000  }
0xb5: {  	[spmem:s14] =	stream.indirect.scatter.add.f32 [tilespmem:s13], [sflag:$0x3], $0x80, s10, s5, $0xb8;
	[tilespmem:$0x18B80] =	vst v63  }
0xb6: {  	_ =	swait.ge [sflag:s0], $0x2000  }
0xb7: {  	[sflag:s0] =	ssyncset.done $0x0  }
0xb8: {  	[sflag:s0] =	ssyncadd.s32 $0xFFFFE000  }
0xb9: {  	[spmem:s15] =	stream.indirect.scatter.add.f32 [tilespmem:s11], [sflag:$0x3], $0x1, s10, s5, $0xb8;
	[tilespmem:$0x18B80] =	vst v63  }
0xba: {  	_ =	swait.ge [sflag:s0], $0x40  }
0xbb: {  	[sflag:s0] =	ssyncset.done $0x0  }
0xbc: {  	s18 =	simm.s32 $0x0;
	[sflag:s0] =	ssyncadd.s32 $0xFFFFFFC0  }
0xbd: {  	v2 =	vld [tilespmem:s18+$0x13F00];
	_ =	sdelay $0x4  }
0xbe: {  	v3 =	vand.u32 $0xFFFF, v2  }
0xbf: {  	v2 =	vshra.s32 v2, $0x10;
	[tilespmem:$0x18680] =	vst v3  }
0xc0: {  	[tilespmem:$0x18780] =	vst v2  }
0xc1: {  	v2 =	vld [tilespmem:s18+$0x13F10];
	_ =	sdelay $0x4  }
0xc2: {  	v3 =	vand.u32 $0xFFFF, v2  }
0xc3: {  	v2 =	vshra.s32 v2, $0x10;
	[tilespmem:$0x18690] =	vst v3  }
0xc4: {  	[tilespmem:$0x18790] =	vst v2  }
0xc5: {  	v2 =	vld [tilespmem:s18+$0x13F20];
	_ =	sdelay $0x4  }
0xc6: {  	v3 =	vand.u32 $0xFFFF, v2  }
0xc7: {  	v2 =	vshra.s32 v2, $0x10;
	[tilespmem:$0x186A0] =	vst v3  }
0xc8: {  	[tilespmem:$0x187A0] =	vst v2  }
0xc9: {  	v2 =	vld [tilespmem:s18+$0x13F30];
	_ =	sdelay $0x4  }
0xca: {  	v3 =	vand.u32 $0xFFFF, v2  }
0xcb: {  	v2 =	vshra.s32 v2, $0x10;
	[tilespmem:$0x186B0] =	vst v3  }
0xcc: {  	[tilespmem:$0x187B0] =	vst v2  }
0xcd: {  	[tilespmem:s13], [sflag:$0x1] =	stream.indirect.gather [hbm4b:s1+s5], $0x80, s6, s5, $0xb8;
	[tilespmem:$0x18B80] =	vst v63  }
0xce: {  	_ =	swait.ge [sflag:s16], $0x2000  }
0xcf: {  	[sflag:s16] =	ssyncset.done $0x0  }
0xd0: {  	[sflag:s16] =	ssyncadd.s32 $0xFFFFE000  }
0xd1: {  	[spmem:s14] =	stream.indirect.scatter.add.f32 [tilespmem:s8], [sflag:$0x3], $0x80, s17, s5, $0xb8;
	[tilespmem:$0x18B80] =	vst v63  }
0xd2: {  	_ =	swait.ge [sflag:s0], $0x2000  }
0xd3: {  	[sflag:s0] =	ssyncset.done $0x0  }
0xd4: {  	[sflag:s0] =	ssyncadd.s32 $0xFFFFE000  }
0xd5: {  	[spmem:s15] =	stream.indirect.scatter.add.f32 [tilespmem:s11], [sflag:$0x3], $0x1, s17, s5, $0xb8;
	[tilespmem:$0x18B80] =	vst v63  }
0xd6: {  	_ =	swait.ge [sflag:s0], $0x40  }
0xd7: {  	[sflag:s0] =	ssyncset.done $0x0  }
0xd8: {  	[sflag:s0] =	ssyncadd.s32 $0xFFFFFFC0  }
0xd9: {  	v2 =	vld [tilespmem:s18+$0x13F40];
	_ =	sdelay $0x4  }
0xda: {  	v3 =	vand.u32 $0xFFFF, v2  }
0xdb: {  	v2 =	vshra.s32 v2, $0x10;
	[tilespmem:$0x18700] =	vst v3  }
0xdc: {  	[tilespmem:$0x18800] =	vst v2  }
0xdd: {  	v2 =	vld [tilespmem:s18+$0x13F50];
	_ =	sdelay $0x4  }
0xde: {  	v3 =	vand.u32 $0xFFFF, v2  }
0xdf: {  	v2 =	vshra.s32 v2, $0x10;
	[tilespmem:$0x18710] =	vst v3  }
0xe0: {  	[tilespmem:$0x18810] =	vst v2  }
0xe1: {  	v2 =	vld [tilespmem:s18+$0x13F60];
	_ =	sdelay $0x4  }
0xe2: {  	v3 =	vand.u32 $0xFFFF, v2  }
0xe3: {  	v2 =	vshra.s32 v2, $0x10;
	[tilespmem:$0x18720] =	vst v3  }
0xe4: {  	s19 =	simm.s32 $0x200;
	[tilespmem:$0x18820] =	vst v2  }
.LBB2_5:
0xe5: {  	p1 =	sne.s32 s19, $0x1C00;
	v2 =	vld [tilespmem:s18+$0x13F70];
	s18 =	smov.u32 s19;
	s19 =	sadd.s32 $0x200, s19  }
0xe6: {  	_ =	sdelay $0x3  }
0xe7: {  	v3 =	vand.u32 $0xFFFF, v2;
	v2 =	vshra.s32 v2, $0x10  }
0xe8: {  	[tilespmem:$0x18730] =	vst v3  }
0xe9: {  	[tilespmem:$0x18830] =	vst v2  }
0xea: {  	[tilespmem:s8], [sflag:$0x2] =	stream.indirect.gather [hbm4b:s1+s5], $0x80, s7, s5, $0xb8;
	[tilespmem:$0x18B80] =	vst v63  }
0xeb: {  	_ =	swait.ge [sflag:s9], $0x2000  }
0xec: {  	[sflag:s9] =	ssyncset.done $0x0  }
0xed: {  	[sflag:s9] =	ssyncadd.s32 $0xFFFFE000  }
0xee: {  	[spmem:s14] =	stream.indirect.scatter.add.f32 [tilespmem:s13], [sflag:$0x3], $0x80, s10, s5, $0xb8;
	[tilespmem:$0x18B80] =	vst v63  }
0xef: {  	_ =	swait.ge [sflag:s0], $0x2000  }
0xf0: {  	[sflag:s0] =	ssyncset.done $0x0  }
0xf1: {  	[sflag:s0] =	ssyncadd.s32 $0xFFFFE000  }
0xf2: {  	[spmem:s15] =	stream.indirect.scatter.add.f32 [tilespmem:s11], [sflag:$0x3], $0x1, s10, s5, $0xb8;
	[tilespmem:$0x18B80] =	vst v63  }
0xf3: {  	_ =	swait.ge [sflag:s0], $0x40  }
0xf4: {  	[sflag:s0] =	ssyncset.done $0x0  }
0xf5: {  	s18 =	sshra.s32 s18, $0x2;
	[sflag:s0] =	ssyncadd.s32 $0xFFFFFFC0  }
0xf6: {  	v2 =	vld [tilespmem:s18+$0x13F00];
	_ =	sdelay $0x4  }
0xf7: {  	v3 =	vand.u32 $0xFFFF, v2;
	v2 =	vshra.s32 v2, $0x10  }
0xf8: {  	[tilespmem:$0x18680] =	vst v3  }
0xf9: {  	[tilespmem:$0x18780] =	vst v2  }
0xfa: {  	v2 =	vld [tilespmem:s18+$0x13F10];
	_ =	sdelay $0x4  }
0xfb: {  	v3 =	vand.u32 $0xFFFF, v2;
	v2 =	vshra.s32 v2, $0x10  }
0xfc: {  	[tilespmem:$0x18690] =	vst v3  }
0xfd: {  	[tilespmem:$0x18790] =	vst v2  }
0xfe: {  	v2 =	vld [tilespmem:s18+$0x13F20];
	_ =	sdelay $0x4  }
0xff: {  	v3 =	vand.u32 $0xFFFF, v2;
	v2 =	vshra.s32 v2, $0x10  }
0x100: {  	[tilespmem:$0x186A0] =	vst v3  }
0x101: {  	[tilespmem:$0x187A0] =	vst v2  }
0x102: {  	v2 =	vld [tilespmem:s18+$0x13F30];
	_ =	sdelay $0x4  }
0x103: {  	v3 =	vand.u32 $0xFFFF, v2;
	v2 =	vshra.s32 v2, $0x10  }
0x104: {  	[tilespmem:$0x186B0] =	vst v3  }
0x105: {  	[tilespmem:$0x187B0] =	vst v2  }
0x106: {  	[tilespmem:s13], [sflag:$0x1] =	stream.indirect.gather [hbm4b:s1+s5], $0x80, s6, s5, $0xb8;
	[tilespmem:$0x18B80] =	vst v63  }
0x107: {  	_ =	swait.ge [sflag:s16], $0x2000  }
0x108: {  	[sflag:s16] =	ssyncset.done $0x0  }
0x109: {  	[sflag:s16] =	ssyncadd.s32 $0xFFFFE000  }
0x10a: {  	[spmem:s14] =	stream.indirect.scatter.add.f32 [tilespmem:s8], [sflag:$0x3], $0x80, s17, s5, $0xb8;
	[tilespmem:$0x18B80] =	vst v63  }
0x10b: {  	_ =	swait.ge [sflag:s0], $0x2000  }
0x10c: {  	[sflag:s0] =	ssyncset.done $0x0  }
0x10d: {  	[sflag:s0] =	ssyncadd.s32 $0xFFFFE000  }
0x10e: {  	[spmem:s15] =	stream.indirect.scatter.add.f32 [tilespmem:s11], [sflag:$0x3], $0x1, s17, s5, $0xb8;
	[tilespmem:$0x18B80] =	vst v63  }
0x10f: {  	_ =	swait.ge [sflag:s0], $0x40  }
0x110: {  	[sflag:s0] =	ssyncset.done $0x0  }
0x111: {  	[sflag:s0] =	ssyncadd.s32 $0xFFFFFFC0  }
0x112: {  	v2 =	vld [tilespmem:s18+$0x13F40];
	_ =	sdelay $0x4  }
0x113: {  	v3 =	vand.u32 $0xFFFF, v2;
	v2 =	vshra.s32 v2, $0x10  }
0x114: {  	[tilespmem:$0x18700] =	vst v3  }
0x115: {  	[tilespmem:$0x18800] =	vst v2  }
0x116: {  	v2 =	vld [tilespmem:s18+$0x13F50];
	_ =	sdelay $0x4  }
0x117: {  	v3 =	vand.u32 $0xFFFF, v2;
	v2 =	vshra.s32 v2, $0x10  }
0x118: {  	[tilespmem:$0x18710] =	vst v3  }
0x119: {  	[tilespmem:$0x18810] =	vst v2  }
0x11a: {  	v2 =	vld [tilespmem:s18+$0x13F60];
	_ =	sdelay $0x2  }
.Ltmp1:
0x11b: {  	(pc) =	sbr.rel @p1 .LBB2_5-.Ltmp1, $4  }
0x11c: {  	_ = 	snop  }
0x11d: {  	v3 =	vand.u32 $0xFFFF, v2;
	v2 =	vshra.s32 v2, $0x10  }
0x11e: {  	[tilespmem:$0x18720] =	vst v3  }
0x11f: {  	[tilespmem:$0x18820] =	vst v2  }
0x120: {  	v2 =	vld [tilespmem:s18+$0x13F70];
	_ =	sdelay $0x4  }
0x121: {  	v3 =	vand.u32 $0xFFFF, v2  }
0x122: {  	v2 =	vshra.s32 v2, $0x10;
	[tilespmem:$0x18730] =	vst v3  }
0x123: {  	[tilespmem:$0x18830] =	vst v2  }
0x124: {  	[tilespmem:s8], [sflag:$0x2] =	stream.indirect.gather [hbm4b:s1+s5], $0x80, s7, s5, $0xb8;
	[tilespmem:$0x18B80] =	vst v63  }
0x125: {  	_ =	swait.ge [sflag:s9], $0x2000  }
0x126: {  	[sflag:s9] =	ssyncset.done $0x0  }
0x127: {  	[sflag:s9] =	ssyncadd.s32 $0xFFFFE000  }
0x128: {  	[spmem:s14] =	stream.indirect.scatter.add.f32 [tilespmem:s13], [sflag:$0x3], $0x80, s10, s5, $0xb8;
	[tilespmem:$0x18B80] =	vst v63  }
0x129: {  	_ =	swait.ge [sflag:s0], $0x2000  }
0x12a: {  	[sflag:s0] =	ssyncset.done $0x0  }
0x12b: {  	[sflag:s0] =	ssyncadd.s32 $0xFFFFE000  }
0x12c: {  	[spmem:s15] =	stream.indirect.scatter.add.f32 [tilespmem:s11], [sflag:$0x3], $0x1, s10, s5, $0xb8;
	[tilespmem:$0x18B80] =	vst v63  }
0x12d: {  	_ =	swait.ge [sflag:s0], $0x40  }
0x12e: {  	[sflag:s0] =	ssyncset.done $0x0  }
0x12f: {  	[sflag:s0] =	ssyncadd.s32 $0xFFFFFFC0  }
0x130: {  	_ =	swait.ge [sflag:s16], $0x2000  }
0x131: {  	[sflag:s16] =	ssyncset.done $0x0  }
0x132: {  	[sflag:s16] =	ssyncadd.s32 $0xFFFFE000  }
0x133: {  	[spmem:s14] =	stream.indirect.scatter.add.f32 [tilespmem:s8], [sflag:$0x3], $0x80, s17, s5, $0xb8;
	[tilespmem:$0x18B80] =	vst v63  }
0x134: {  	p1 =	slt.u32 @!p0 s31, $0x8;
	_ =	swait.ge [sflag:s0], $0x2000  }
0x135: {  	p1 =	por p0, !p1;
	[sflag:s0] =	ssyncset.done $0x0  }
.Ltmp2:
0x136: {  	[sflag:s0] =	ssyncadd.s32 $0xFFFFE000;
	(pc) =	sbr.rel @!p1 .LBB2_4-.Ltmp2, $4  }
0x137: {  	[spmem:s15] =	stream.indirect.scatter.add.f32 [tilespmem:s11], [sflag:$0x3], $0x1, s17, s5, $0xb8;
	[tilespmem:$0x18B80] =	vst v63  }
0x138: {  	_ =	swait.ge [sflag:s0], $0x40  }
0x139: {  	[sflag:s0] =	ssyncset.done $0x0  }
0x13a: {  	s31 =	sadd.s32 $0x1, s31;
	[sflag:s0] =	ssyncadd.s32 $0xFFFFFFC0  }
0x13b: {  	s18 =	stileid.u32  }
0x13c: {  	[bflag:$0x0] =	sbarrier.arrive $0xFFFF;
	s18 =	sshll.u32 s18, $0x6  }
0x13d: {  	s19 =	sshrl.u32 s20, $0x3;
	s30 =	rddreg [dreg:$0x6];
	s18 =	sor.u32 $0x1C03, s18  }
0x13e: {  	[hbm:s30], [sflag:s18] =	dma.local [spmem:s19], $0x400  }
0x13f: {  	_ =	swait.ge [sflag:s0], $0x400  }
0x140: {  	s31 =	smov.u32 s20;
	[sflag:s0] =	ssyncset.done $0x0;
	s30 =	rddreg [dreg:$0x10]  }
0x141: {  	s20 =	rddreg [dreg:$0x7];
	[sflag:s0] =	ssyncadd.s32 $0xFFFFFC00;
	s19 =	sshrl.u32 s30, $0x3  }
0x142: {  	[hbm:s20], [sflag:s18] =	dma.local [spmem:s19], $0x400  }
0x143: {  	_ =	swait.ge [sflag:s0], $0x400  }
0x144: {  	[sflag:s0] =	ssyncset.done $0x0;
	s30 =	rddreg [dreg:$0x11]  }
0x145: {  	s20 =	rddreg [dreg:$0x8];
	[sflag:s0] =	ssyncadd.s32 $0xFFFFFC00;
	s19 =	sshrl.u32 s30, $0x3  }
0x146: {  	[hbm:s20], [sflag:s18] =	dma.local [spmem:s19], $0x400  }
0x147: {  	_ =	swait.ge [sflag:s0], $0x400  }
0x148: {  	[sflag:s0] =	ssyncset.done $0x0;
	s30 =	rddreg [dreg:$0x14]  }
0x149: {  	s20 =	rddreg [dreg:$0x9];
	[sflag:s0] =	ssyncadd.s32 $0xFFFFFC00;
	s19 =	sshrl.u32 s30, $0x3  }
0x14a: {  	[hbm:s20], [sflag:s18] =	dma.local [spmem:s19], $0x400  }
0x14b: {  	_ =	swait.ge [sflag:s0], $0x400  }
0x14c: {  	[sflag:s0] =	ssyncset.done $0x0  }
0x14d: {  	s19 =	sshrl.u32 s22, $0x3;
	s20 =	rddreg [dreg:$0xa];
	[sflag:s0] =	ssyncadd.s32 $0xFFFFFC00  }
0x14e: {  	[hbm:s20], [sflag:s18] =	dma.local [spmem:s19], $0x400  }
0x14f: {  	_ =	swait.ge [sflag:s0], $0x400  }
0x150: {  	[sflag:s0] =	ssyncset.done $0x0  }
0x151: {  	s19 =	sshrl.u32 s23, $0x3;
	s20 =	rddreg [dreg:$0xb];
	[sflag:s0] =	ssyncadd.s32 $0xFFFFFC00  }
0x152: {  	[hbm:s20], [sflag:s18] =	dma.local [spmem:s19], $0x400  }
0x153: {  	_ =	swait.ge [sflag:s0], $0x400  }
0x154: {  	[sflag:s0] =	ssyncset.done $0x0  }
0x155: {  	s19 =	sshrl.u32 s24, $0x3;
	s20 =	rddreg [dreg:$0xc];
	[sflag:s0] =	ssyncadd.s32 $0xFFFFFC00  }
0x156: {  	[hbm:s20], [sflag:s18] =	dma.local [spmem:s19], $0x400  }
0x157: {  	_ =	swait.ge [sflag:s0], $0x400  }
0x158: {  	[sflag:s0] =	ssyncset.done $0x0  }
0x159: {  	s19 =	sshrl.u32 s25, $0x3;
	s20 =	rddreg [dreg:$0xd];
	[sflag:s0] =	ssyncadd.s32 $0xFFFFFC00  }
0x15a: {  	[hbm:s20], [sflag:s18] =	dma.local [spmem:s19], $0x400  }
0x15b: {  	_ =	swait.ge [sflag:s0], $0x400  }
0x15c: {  	[sflag:s0] =	ssyncset.done $0x0  }
0x15d: {  	s19 =	sshrl.u32 s26, $0x3;
	s20 =	rddreg [dreg:$0xe];
	[sflag:s0] =	ssyncadd.s32 $0xFFFFFC00  }
0x15e: {  	[hbm:s20], [sflag:s18] =	dma.local [spmem:s19], $0x400  }
0x15f: {  	_ =	swait.ge [sflag:s0], $0x400  }
0x160: {  	[sflag:s0] =	ssyncset.done $0x0  }
0x161: {  	s19 =	sshrl.u32 s28, $0x3;
	s20 =	rddreg [dreg:$0xf];
	[sflag:s0] =	ssyncadd.s32 $0xFFFFFC00  }
0x162: {  	[hbm:s20], [sflag:s18] =	dma.local [spmem:s19], $0x380  }
0x163: {  	_ =	swait.ge [sflag:s0], $0x380  }
0x164: {  	s30 =	simm.s32 $0x20;
	[sflag:s0] =	ssyncset.done $0x0  }
0x165: {  	s19 =	sshrl.u32 s29, $0x3;
	s20 =	rddreg [dreg:$0x12];
	[sflag:s0] =	ssyncadd.s32 $0xFFFFFC80  }
0x166: {  	[hbm:s20@s30], [sflag:s18] =	dma.strided [spmem:s19@s21], $0x50, s9, $0x10   }
0x167: {  	_ =	swait.ge [sflag:s0], $0x50  }
0x168: {  	s2 =	sadd.s32 $0x1, s2;
	s30 =	rddreg [dreg:$0x13]  }
0x169: {  	p1 =	sne.s32 s2, s30  }
.Ltmp3:
0x16a: {  	_ = 	snop;
	(pc) =	sbr.rel @p1 .LBB2_1-.Ltmp3, $3  }
0x16b: {  	_ =	sdelay $0x1  }
0x16c: {  	[sflag:s0] =	ssyncset.done $0x0  }
0x16d: {  	[sflag:s0] =	ssyncadd.s32 $0xFFFFFFB0  }
0x16e: {  	_ =	sfence.sel $0x180000  }
0x16f: {  	[bflag:$0x0] =	sbarrier.arrive $0xFFFF  }
0x170: {  	_ =	strace $0x90000047  }
0x171: {  	s0 =	stileid.u32;
	[bflag:$0x2] =	sbarrier.arrive $0xFFFF  }
0x172: {  	p0 =	sne.s32 s0, $0x0;
	s0 =	rddreg [dreg:$0x5]  }
0x173: {  	s0 =	sadd.s32 @!p0 $0x100000, s0  }
0x174: {  	[sflag:s0] =	ssyncadd.tile.s32 @!p0 $0x1;
	_ =	shalt  }
.Lfunc_end2:
_tile_overlayer_lowered:
.L_overlay_start_2:
0x175: {  	(tag) =	ssettag $0x2  }
0x176: {  	s0 =	rddreg [dreg:$0x0];
	s2 =	stileid.u32  }
0x177: {  	s1 =	rddreg [dreg:$0x1];
	p0 =	sne.s32 s2, $0x0  }
0x178: {  	s3 =	rddreg [dreg:$0x2];
	[bflag:$0x3] =	sbarrier.arrive $0xFFFF;
	s2 =	simm.s32 @!p0 $0x1C03  }
0x179: {  	[timem:s3], [sflag:s2] =	dma.local @!p0 [hbm:s0], s1  }
0x17a: {  	s0 =	simm.s32 @!p0 $0x3  }
0x17b: {  	_ =	swait.ge @!p0 [sflag:s0], s1  }
0x17c: {  	s1 =	ssub.s32 @!p0 $0x0, s1;
	[sflag:s0] =	ssyncset.done @!p0 $0x0  }
0x17d: {  	[sflag:s0] =	ssyncadd.s32 @!p0 s1  }
0x17e: {  	[bflag:$0x3] =	sbarrier.arrive $0xFFFF  }
0x17f: {  	_ =	shalt  }

</sc_bundles>
